<compile_context>
chip_gen: v7x
topology: tpu7x:2x2x1
jax: 0.10.2.dev20260603
libtpu: 0.0.44.dev20260713+nightly
codegen_flags: <defaults>
</compile_context>

<pallas_src>
import functools

import jax
import jax.numpy as jnp
from jax import lax
from jax.experimental import pallas as pl
from jax.experimental.pallas import tpu as pltpu
from jax.experimental.pallas import tpu_sc as plsc

_BM = 128
_RB = 256
_NW = 32
_NC = 2



def _router_body(x_ref, wg_ref, val_ref, idx_ref, rank_ref, counts_ref,
                 carry_ref, tri_ref):
    g = pl.program_id(0)
    nab = 2 * _RB

    @pl.when(g == 0)
    def _init():
        carry_ref[...] = jnp.zeros_like(carry_ref)
        r = lax.broadcasted_iota(jnp.int32, (nab, nab), 0)
        c = lax.broadcasted_iota(jnp.int32, (nab, nab), 1)
        tri_ref[...] = (c < r).astype(jnp.float32)

    l = jnp.dot(x_ref[...], wg_ref[...], preferred_element_type=jnp.float32)
    m = jnp.max(l, axis=-1, keepdims=True)
    el = jnp.exp(l - m)
    probs = el / jnp.sum(el, axis=-1, keepdims=True)
    ncols = probs.shape[-1]
    iota = lax.broadcasted_iota(jnp.int32, probs.shape, 1)
    v1 = jnp.max(probs, axis=-1, keepdims=True)
    i1 = jnp.min(jnp.where(probs == v1, iota, ncols), axis=-1, keepdims=True)
    p2 = jnp.where(iota == i1, -1.0, probs)
    v2 = jnp.max(p2, axis=-1, keepdims=True)
    i2 = jnp.min(jnp.where(p2 == v2, iota, ncols), axis=-1, keepdims=True)
    val_ref[...] = jnp.concatenate([v1, v2], axis=-1)
    idx_ref[...] = jnp.concatenate([i1, i2], axis=-1)
    ncols_e = counts_ref.shape[-1]
    cols1 = lax.broadcasted_iota(jnp.int32, (_RB, ncols_e), 1)
    onehot = jnp.concatenate(
        [(i1 == cols1).astype(jnp.float32), (i2 == cols1).astype(jnp.float32)],
        axis=0)
    prior = jnp.dot(tri_ref[...], onehot, preferred_element_type=jnp.float32)
    carry = carry_ref[0:1, :].astype(jnp.float32)
    rank = jnp.sum(onehot * (prior + carry), axis=1, keepdims=True)
    rank_ref[...] = rank.astype(jnp.int32)
    new_counts = carry + jnp.sum(onehot, axis=0, keepdims=True)
    carry_ref[0:1, :] = new_counts.astype(jnp.int32)
    counts_ref[...] = new_counts.astype(jnp.int32)


def _router(xf, Wg):
    T, H = xf.shape
    E = Wg.shape[1]
    grid = (T // _RB,)
    nab = 2 * _RB
    val, idx, rank, counts = pl.pallas_call(
        _router_body,
        grid=grid,
        in_specs=[
            pl.BlockSpec((_RB, H), lambda t: (t, 0)),
            pl.BlockSpec((H, E), lambda t: (0, 0)),
        ],
        out_specs=[
            pl.BlockSpec((_RB, 2), lambda t: (t, 0)),
            pl.BlockSpec((_RB, 2), lambda t: (t, 0)),
            pl.BlockSpec((nab, 1), lambda t: (t, 0)),
            pl.BlockSpec((1, E), lambda t: (0, 0)),
        ],
        out_shape=[
            jax.ShapeDtypeStruct((T, 2), jnp.float32),
            jax.ShapeDtypeStruct((T, 2), jnp.int32),
            jax.ShapeDtypeStruct((2 * T, 1), jnp.int32),
            jax.ShapeDtypeStruct((1, E), jnp.int32),
        ],
        scratch_shapes=[
            pltpu.VMEM((8, E), jnp.int32),
            pltpu.VMEM((nab, nab), jnp.float32),
        ],
        compiler_params=pltpu.CompilerParams(
            dimension_semantics=("arbitrary",)),
    )(xf, Wg)
    return val, idx, rank[:, 0], counts[0]



def _dispatch(idx, val, rank, counts, nblk):
    T, K = idx.shape
    E = counts.shape[0]
    blocks_pe = (counts + _BM - 1) // _BM
    bends = jnp.cumsum(blocks_pe)
    bstart = bends - blocks_pe
    rank_tk = rank.reshape(T // _RB, K, _RB).transpose(0, 2, 1).reshape(T, K)
    pos = bstart[idx] * _BM + rank_tk
    tpw = T // _NW
    ppos3 = pos.reshape(_NW, tpw, K).transpose(0, 2, 1)
    val3 = val.reshape(_NW, tpw, K).transpose(0, 2, 1)
    g_ids = jnp.arange(nblk, dtype=jnp.int32)
    block_expert = jnp.minimum(
        jnp.sum((bends[None, :] <= g_ids[:, None]).astype(jnp.int32), axis=1),
        E - 1).astype(jnp.int32)
    block_expert = jnp.concatenate([block_expert, bends[-1:]])
    return ppos3, val3, pos[:, 0], pos[:, 1], block_expert



def _sc_dispatch(xf, ppos3, val3, npad):
    T, H = xf.shape
    NW, K, tpw = ppos3.shape
    mesh = plsc.VectorSubcoreMesh(core_axis_name="c", subcore_axis_name="s")

    @functools.partial(
        pl.kernel, mesh=mesh,
        out_type=[
            jax.ShapeDtypeStruct((npad, H), jnp.float32),
            jax.ShapeDtypeStruct((npad,), jnp.float32),
        ],
        scratch_types=[
            pltpu.VMEM((tpw, H), jnp.float32),
            pltpu.VMEM((K, tpw), jnp.int32),
            pltpu.VMEM((K, tpw), jnp.float32),
            [pltpu.SemaphoreType.DMA] * 4,
        ],
    )
    def k(xf_hbm, pp_hbm, v_hbm, xs_hbm, rw_hbm, xbuf, ibuf, vbuf, sems):
        wid = lax.axis_index("s") * _NC + lax.axis_index("c")
        pltpu.sync_copy(pp_hbm.at[wid], ibuf)
        pltpu.sync_copy(v_hbm.at[wid], vbuf)
        pltpu.sync_copy(xf_hbm.at[pl.ds(wid * tpw, tpw)], xbuf)
        hs = [
            pltpu.async_copy(xbuf, xs_hbm.at[ibuf.at[0]], sems[0]),
            pltpu.async_copy(xbuf, xs_hbm.at[ibuf.at[1]], sems[1]),
            pltpu.async_copy(vbuf.at[0], rw_hbm.at[ibuf.at[0]], sems[2]),
            pltpu.async_copy(vbuf.at[1], rw_hbm.at[ibuf.at[1]], sems[3]),
        ]
        for h in hs:
            h.wait()

    return k(xf, ppos3, val3)



def _ffn_body(be_ref, xs_ref, w1_ref, b1_ref, w2_ref, b2_ref, rw_ref, out_ref):
    nblk = be_ref.shape[0] - 1

    @pl.when(pl.program_id(0) < be_ref[nblk])
    def _compute():
        x = xs_ref[...]
        h = (jnp.dot(x, w1_ref[0], preferred_element_type=jnp.float32)
             + b1_ref[0, 0])
        h = h * jax.nn.sigmoid(h)
        y = (jnp.dot(h, w2_ref[0], preferred_element_type=jnp.float32)
             + b2_ref[0, 0])
        out_ref[...] = y * rw_ref[...]


def _ffn(block_expert, xs, W1, b1, W2, b2, rw):
    E, H, I2 = W1.shape
    npad = xs.shape[0]
    nblk = npad // _BM
    grid_spec = pltpu.PrefetchScalarGridSpec(
        num_scalar_prefetch=1,
        grid=(nblk,),
        in_specs=[
            pl.BlockSpec((_BM, H), lambda g, be: (g, 0)),
            pl.BlockSpec((1, H, I2), lambda g, be: (be[g], 0, 0)),
            pl.BlockSpec((1, 1, I2), lambda g, be: (be[g], 0, 0)),
            pl.BlockSpec((1, I2, H), lambda g, be: (be[g], 0, 0)),
            pl.BlockSpec((1, 1, H), lambda g, be: (be[g], 0, 0)),
            pl.BlockSpec((_BM, 1), lambda g, be: (g, 0)),
        ],
        out_specs=pl.BlockSpec((_BM, H), lambda g, be: (g, 0)),
    )
    return pl.pallas_call(
        _ffn_body,
        grid_spec=grid_spec,
        out_shape=jax.ShapeDtypeStruct((npad, H), jnp.float32),
        compiler_params=pltpu.CompilerParams(
            dimension_semantics=("arbitrary",)),
    )(block_expert, xs, W1, b1.reshape(E, 1, I2), W2, b2.reshape(E, 1, H),
      rw.reshape(npad, 1))



def _sc_combine(ys, pos0, pos1):
    npad, H = ys.shape
    T = pos0.shape[0]
    per_w = T // _NW
    ch = 64
    nch = per_w // ch
    nvec = ch * H // 16
    hv = H // 16
    mesh = plsc.VectorSubcoreMesh(core_axis_name="c", subcore_axis_name="s")

    @functools.partial(
        pl.kernel, mesh=mesh,
        out_type=jax.ShapeDtypeStruct((T, H), jnp.float32),
        scratch_types=[
            pltpu.VMEM((ch,), jnp.int32),
            pltpu.VMEM((ch,), jnp.int32),
            pltpu.VMEM((ch, H), jnp.float32),
            pltpu.VMEM((ch, H), jnp.float32),
            pltpu.SemaphoreType.DMA,
            pltpu.SemaphoreType.DMA,
        ],
    )
    def k(ys_hbm, p0_hbm, p1_hbm, out_hbm, i0_v, i1_v, buf_a, buf_b, sem_a, sem_b):
        wid = lax.axis_index("s") * _NC + lax.axis_index("c")
        base = wid * per_w

        def chunk(c, carry):
            off = base + c * ch
            pltpu.sync_copy(p0_hbm.at[pl.ds(off, ch)], i0_v)
            pltpu.sync_copy(p1_hbm.at[pl.ds(off, ch)], i1_v)
            cp_a = pltpu.async_copy(ys_hbm.at[i0_v], buf_a, sem_a)
            cp_b = pltpu.async_copy(ys_hbm.at[i1_v], buf_b, sem_b)
            cp_a.wait()
            cp_b.wait()

            def add16(j, cc):
                r = j // hv
                col = (j % hv) * 16
                buf_a[r, pl.ds(col, 16)] = (
                    buf_a[r, pl.ds(col, 16)] + buf_b[r, pl.ds(col, 16)])
                return cc

            lax.fori_loop(0, nvec, add16, 0)
            pltpu.sync_copy(buf_a, out_hbm.at[pl.ds(off, ch)])
            return carry

        lax.fori_loop(0, nch, chunk, 0)

    return k(ys, pos0, pos1)



def kernel(x, Wg, W1, b1, W2, b2):
    b, s, h = x.shape
    E = Wg.shape[1]
    K = 2
    xf = x.reshape(-1, h)
    T = xf.shape[0]
    nblk = (T * K) // _BM + E
    val, idx, rank, counts = _router(xf, Wg)
    ppos3, val3, pos0, pos1, block_expert = _dispatch(idx, val, rank, counts, nblk)
    xs, rw = _sc_dispatch(xf, ppos3, val3, nblk * _BM)
    ys = _ffn(block_expert, xs, W1, b1, W2, b2, rw)
    out = _sc_combine(ys, pos0, pos1)
    return out.reshape(b, s, h)

# --- scband reference (transcript-rebuilt; emitter-appended) ---
"""Pipeline reference for scband-mo-elayer-2327872274774 (READ-ONLY COPY).

The authoritative reference and input builder live on the scoring server;
editing this copy changes nothing except your own understanding.
"""

import jax, jax.numpy as jnp
import numpy as np

H = 768
I = 384
E = 64
K = 2
B = 2
S = 2048


def setup_inputs(seed: int = 0) -> dict:
    key = jax.random.key(seed)
    ks = jax.random.split(key, 5)
    x = jax.random.normal(ks[0], (B, S, H), dtype=jnp.float32)
    Wg = jax.random.normal(ks[1], (H, E), dtype=jnp.float32) * 0.02
    W1 = jax.random.normal(ks[2], (E, H, 2 * I), dtype=jnp.float32) * 0.02
    b1 = jnp.zeros((E, 2 * I), dtype=jnp.float32)
    W2 = jax.random.normal(ks[3], (E, 2 * I, H), dtype=jnp.float32) * 0.02
    b2 = jnp.zeros((E, H), dtype=jnp.float32)
    return {"x": x, "Wg": Wg, "W1": W1, "b1": b1, "W2": W2, "b2": b2}


def reference(x, Wg, W1, b1, W2, b2):
    b, s, h = x.shape
    xf = x.reshape(-1, h)
    gate_logits = xf @ Wg
    gate_probs = jax.nn.softmax(gate_logits, axis=-1)
    top_k_probs, top_k_indices = jax.lax.top_k(gate_probs, K)
    out = jnp.zeros_like(xf)

    def body(out, params):
        W1e, b1e, W2e, b2e, e = params
        sel = (top_k_indices == e).astype(xf.dtype)
        weight = (top_k_probs * sel).sum(axis=-1, keepdims=True)
        hmid = jax.nn.silu(xf @ W1e + b1e)
        yo = hmid @ W2e + b2e
        # equivalent to sum over k of yo * w[:, k] * (top_k_indices[:, k] == e)
        out = out + yo * weight
        return out, None

    e_ids = jnp.arange(W1.shape[0], dtype=top_k_indices.dtype)
    out, _ = jax.lax.scan(body, out, (W1, b1, W2, b2, e_ids))
    return out.reshape(b, s, h)

if __name__ == "__main__":
    import jax
    _d = setup_inputs()
    print(jax.jit(kernel)(*tuple(_d.values())))

</pallas_src>

<mosaic_0001>
#map = affine_map<(d0, d1) -> (0, 0)>
#map1 = affine_map<(d0, d1) -> (0, 0, 0)>
#map2 = affine_map<(d0, d1) -> (0)>
module attributes {stable_mosaic.version = 14 : i64} {
  func.func @k(%arg0: i32, %arg1: i32, %arg2: memref<4096x768xf32, #tpu.memory_space<hbm>>, %arg3: memref<32x2x128xi32, #tpu.memory_space<hbm>>, %arg4: memref<32x2x128xf32, #tpu.memory_space<hbm>>, %arg5: memref<16384x768xf32, #tpu.memory_space<hbm>>, %arg6: memref<16384xf32, #tpu.memory_space<hbm>>, %arg7: memref<128x768xf32, #tpu.memory_space<vmem>>, %arg8: memref<2x128xi32, #tpu.memory_space<vmem>>, %arg9: memref<2x128xf32, #tpu.memory_space<vmem>>, %arg10: memref<!tpu.dma_semaphore, #tpu.memory_space<semaphore_mem>>, %arg11: memref<!tpu.dma_semaphore, #tpu.memory_space<semaphore_mem>>, %arg12: memref<!tpu.dma_semaphore, #tpu.memory_space<semaphore_mem>>, %arg13: memref<!tpu.dma_semaphore, #tpu.memory_space<semaphore_mem>>) attributes {dimension_semantics = [#tpu.dimension_semantics<core_parallel>, #tpu.dimension_semantics<subcore_parallel>], iteration_bounds = array<i64: 2, 16>, scalar_prefetch = 0 : i64, scratch_operands = 7 : i64, tpu.core_type = #tpu.core_type<sc_vector_subcore>, window_params = [{transform_indices = #map}, {transform_indices = #map1}, {transform_indices = #map1}, {transform_indices = #map}, {transform_indices = #map2}]} {
    %mul3A = arith.constant 2 : i32
    %mul3A_0 = arith.muli %arg1, %mul3A : i32
    %add3A = arith.addi %mul3A_0, %arg0 : i32
    "tpu.region"() ({
      %run_scoped3A = tpu.sem_alloc : memref<!tpu.dma_semaphore, #tpu.memory_space<semaphore_mem>>
      %dma_start3A_69 = arith.constant 0 : i32
      %dma_start3A_70 = arith.constant 0 : i32
      %dma_start3A_71 = tpu.memref_slice %arg3[%add3A, %dma_start3A_69, %dma_start3A_70] : memref<32x2x128xi32, #tpu.memory_space<hbm>> -> memref<1x2x128xi32, #tpu.memory_space<hbm>>
      %dma_start3A_72 = tpu.memref_squeeze %dma_start3A_71 : memref<1x2x128xi32, #tpu.memory_space<hbm>> -> memref<2x128xi32, #tpu.memory_space<hbm>>
      %dma_start3A_73 = arith.constant 0 : i32
      %dma_start3A_74 = arith.constant 0 : i32
      %dma_start3A_75 = tpu.memref_slice %arg3[%add3A, %dma_start3A_73, %dma_start3A_74] : memref<32x2x128xi32, #tpu.memory_space<hbm>> -> memref<1x2x128xi32, #tpu.memory_space<hbm>>
      %dma_start3A_76 = tpu.memref_squeeze %dma_start3A_75 : memref<1x2x128xi32, #tpu.memory_space<hbm>> -> memref<2x128xi32, #tpu.memory_space<hbm>>
      tpu.enqueue_dma source(%dma_start3A_76 : memref<2x128xi32, #tpu.memory_space<hbm>>) target(%arg8 : memref<2x128xi32, #tpu.memory_space<vmem>>) target_semaphore(%run_scoped3A : memref<!tpu.dma_semaphore, #tpu.memory_space<semaphore_mem>>)
      %dma_wait3A_77 = arith.constant 0 : i32
      %dma_wait3A_78 = arith.constant 0 : i32
      %dma_wait3A_79 = tpu.memref_slice %arg3[%add3A, %dma_wait3A_77, %dma_wait3A_78] : memref<32x2x128xi32, #tpu.memory_space<hbm>> -> memref<1x2x128xi32, #tpu.memory_space<hbm>>
      %dma_wait3A_80 = tpu.memref_squeeze %dma_wait3A_79 : memref<1x2x128xi32, #tpu.memory_space<hbm>> -> memref<2x128xi32, #tpu.memory_space<hbm>>
      %dma_wait3A_81 = arith.constant 0 : i32
      %dma_wait3A_82 = arith.constant 0 : i32
      %dma_wait3A_83 = tpu.memref_slice %arg3[%add3A, %dma_wait3A_81, %dma_wait3A_82] : memref<32x2x128xi32, #tpu.memory_space<hbm>> -> memref<1x2x128xi32, #tpu.memory_space<hbm>>
      %dma_wait3A_84 = tpu.memref_squeeze %dma_wait3A_83 : memref<1x2x128xi32, #tpu.memory_space<hbm>> -> memref<2x128xi32, #tpu.memory_space<hbm>>
      tpu.wait_dma2 semaphore(%run_scoped3A : memref<!tpu.dma_semaphore, #tpu.memory_space<semaphore_mem>>) src(%dma_wait3A_84 : memref<2x128xi32, #tpu.memory_space<hbm>>) dst(%arg8 : memref<2x128xi32, #tpu.memory_space<vmem>>)
      tpu.yield
    }) : () -> ()
    "tpu.region"() ({
      %run_scoped3A = tpu.sem_alloc : memref<!tpu.dma_semaphore, #tpu.memory_space<semaphore_mem>>
      %dma_start3A_69 = arith.constant 0 : i32
      %dma_start3A_70 = arith.constant 0 : i32
      %dma_start3A_71 = tpu.memref_slice %arg4[%add3A, %dma_start3A_69, %dma_start3A_70] : memref<32x2x128xf32, #tpu.memory_space<hbm>> -> memref<1x2x128xf32, #tpu.memory_space<hbm>>
      %dma_start3A_72 = tpu.memref_squeeze %dma_start3A_71 : memref<1x2x128xf32, #tpu.memory_space<hbm>> -> memref<2x128xf32, #tpu.memory_space<hbm>>
      %dma_start3A_73 = arith.constant 0 : i32
      %dma_start3A_74 = arith.constant 0 : i32
      %dma_start3A_75 = tpu.memref_slice %arg4[%add3A, %dma_start3A_73, %dma_start3A_74] : memref<32x2x128xf32, #tpu.memory_space<hbm>> -> memref<1x2x128xf32, #tpu.memory_space<hbm>>
      %dma_start3A_76 = tpu.memref_squeeze %dma_start3A_75 : memref<1x2x128xf32, #tpu.memory_space<hbm>> -> memref<2x128xf32, #tpu.memory_space<hbm>>
      tpu.enqueue_dma source(%dma_start3A_76 : memref<2x128xf32, #tpu.memory_space<hbm>>) target(%arg9 : memref<2x128xf32, #tpu.memory_space<vmem>>) target_semaphore(%run_scoped3A : memref<!tpu.dma_semaphore, #tpu.memory_space<semaphore_mem>>)
      %dma_wait3A_77 = arith.constant 0 : i32
      %dma_wait3A_78 = arith.constant 0 : i32
      %dma_wait3A_79 = tpu.memref_slice %arg4[%add3A, %dma_wait3A_77, %dma_wait3A_78] : memref<32x2x128xf32, #tpu.memory_space<hbm>> -> memref<1x2x128xf32, #tpu.memory_space<hbm>>
      %dma_wait3A_80 = tpu.memref_squeeze %dma_wait3A_79 : memref<1x2x128xf32, #tpu.memory_space<hbm>> -> memref<2x128xf32, #tpu.memory_space<hbm>>
      %dma_wait3A_81 = arith.constant 0 : i32
      %dma_wait3A_82 = arith.constant 0 : i32
      %dma_wait3A_83 = tpu.memref_slice %arg4[%add3A, %dma_wait3A_81, %dma_wait3A_82] : memref<32x2x128xf32, #tpu.memory_space<hbm>> -> memref<1x2x128xf32, #tpu.memory_space<hbm>>
      %dma_wait3A_84 = tpu.memref_squeeze %dma_wait3A_83 : memref<1x2x128xf32, #tpu.memory_space<hbm>> -> memref<2x128xf32, #tpu.memory_space<hbm>>
      tpu.wait_dma2 semaphore(%run_scoped3A : memref<!tpu.dma_semaphore, #tpu.memory_space<semaphore_mem>>) src(%dma_wait3A_84 : memref<2x128xf32, #tpu.memory_space<hbm>>) dst(%arg9 : memref<2x128xf32, #tpu.memory_space<vmem>>)
      tpu.yield
    }) : () -> ()
    %mul3A_1 = arith.constant 128 : i32
    %mul3A_2 = arith.muli %add3A, %mul3A_1 : i32
    "tpu.region"() ({
      %run_scoped3A = tpu.sem_alloc : memref<!tpu.dma_semaphore, #tpu.memory_space<semaphore_mem>>
      %dma_start3A_69 = arith.constant 0 : i32
      %dma_start3A_70 = tpu.memref_slice %arg2[%mul3A_2, %dma_start3A_69] : memref<4096x768xf32, #tpu.memory_space<hbm>> -> memref<128x768xf32, #tpu.memory_space<hbm>>
      %dma_start3A_71 = arith.constant 0 : i32
      %dma_start3A_72 = tpu.memref_slice %arg2[%mul3A_2, %dma_start3A_71] : memref<4096x768xf32, #tpu.memory_space<hbm>> -> memref<128x768xf32, #tpu.memory_space<hbm>>
      tpu.enqueue_dma source(%dma_start3A_72 : memref<128x768xf32, #tpu.memory_space<hbm>>) target(%arg7 : memref<128x768xf32, #tpu.memory_space<vmem>>) target_semaphore(%run_scoped3A : memref<!tpu.dma_semaphore, #tpu.memory_space<semaphore_mem>>)
      %dma_wait3A_73 = arith.constant 0 : i32
      %dma_wait3A_74 = tpu.memref_slice %arg2[%mul3A_2, %dma_wait3A_73] : memref<4096x768xf32, #tpu.memory_space<hbm>> -> memref<128x768xf32, #tpu.memory_space<hbm>>
      %dma_wait3A_75 = arith.constant 0 : i32
      %dma_wait3A_76 = tpu.memref_slice %arg2[%mul3A_2, %dma_wait3A_75] : memref<4096x768xf32, #tpu.memory_space<hbm>> -> memref<128x768xf32, #tpu.memory_space<hbm>>
      tpu.wait_dma2 semaphore(%run_scoped3A : memref<!tpu.dma_semaphore, #tpu.memory_space<semaphore_mem>>) src(%dma_wait3A_76 : memref<128x768xf32, #tpu.memory_space<hbm>>) dst(%arg7 : memref<128x768xf32, #tpu.memory_space<vmem>>)
      tpu.yield
    }) : () -> ()
    %dma_start3A = arith.constant 0 : i32
    %dma_start3A_3 = arith.constant 0 : i32
    %dma_start3A_4 = tpu.memref_slice %arg8[%dma_start3A, %dma_start3A_3] : memref<2x128xi32, #tpu.memory_space<vmem>> -> memref<1x128xi32, #tpu.memory_space<vmem>>
    %dma_start3A_5 = tpu.memref_squeeze %dma_start3A_4 : memref<1x128xi32, #tpu.memory_space<vmem>> -> memref<128xi32, #tpu.memory_space<vmem>>
    %dma_start3A_6 = arith.constant 0 : i32
    %dma_start3A_7 = arith.constant 0 : i32
    %dma_start3A_8 = tpu.memref_slice %arg5[%dma_start3A_6, %dma_start3A_7] : memref<16384x768xf32, #tpu.memory_space<hbm>> -> memref<16384x768xf32, #tpu.memory_space<hbm>>
    tpu.enqueue_indirect_dma source(%arg7 : memref<128x768xf32, #tpu.memory_space<vmem>>) target(%dma_start3A_8 : memref<16384x768xf32, #tpu.memory_space<hbm>>) offsets(%dma_start3A_5 : memref<128xi32, #tpu.memory_space<vmem>>) semaphore(%arg10 : memref<!tpu.dma_semaphore, #tpu.memory_space<semaphore_mem>>)
    %dma_start3A_9 = arith.constant 1 : i32
    %dma_start3A_10 = arith.constant 0 : i32
    %dma_start3A_11 = tpu.memref_slice %arg8[%dma_start3A_9, %dma_start3A_10] : memref<2x128xi32, #tpu.memory_space<vmem>> -> memref<1x128xi32, #tpu.memory_space<vmem>>
    %dma_start3A_12 = tpu.memref_squeeze %dma_start3A_11 : memref<1x128xi32, #tpu.memory_space<vmem>> -> memref<128xi32, #tpu.memory_space<vmem>>
    %dma_start3A_13 = arith.constant 0 : i32
    %dma_start3A_14 = arith.constant 0 : i32
    %dma_start3A_15 = tpu.memref_slice %arg5[%dma_start3A_13, %dma_start3A_14] : memref<16384x768xf32, #tpu.memory_space<hbm>> -> memref<16384x768xf32, #tpu.memory_space<hbm>>
    tpu.enqueue_indirect_dma source(%arg7 : memref<128x768xf32, #tpu.memory_space<vmem>>) target(%dma_start3A_15 : memref<16384x768xf32, #tpu.memory_space<hbm>>) offsets(%dma_start3A_12 : memref<128xi32, #tpu.memory_space<vmem>>) semaphore(%arg11 : memref<!tpu.dma_semaphore, #tpu.memory_space<semaphore_mem>>)
    %dma_start3A_16 = arith.constant 0 : i32
    %dma_start3A_17 = arith.constant 0 : i32
    %dma_start3A_18 = arith.constant 0 : i32
    %dma_start3A_19 = tpu.memref_slice %arg9[%dma_start3A_16, %dma_start3A_18] : memref<2x128xf32, #tpu.memory_space<vmem>> -> memref<1x128xf32, #tpu.memory_space<vmem>>
    %dma_start3A_20 = tpu.memref_squeeze %dma_start3A_19 : memref<1x128xf32, #tpu.memory_space<vmem>> -> memref<128xf32, #tpu.memory_space<vmem>>
    %dma_start3A_21 = arith.constant 0 : i32
    %dma_start3A_22 = tpu.memref_slice %arg8[%dma_start3A_17, %dma_start3A_21] : memref<2x128xi32, #tpu.memory_space<vmem>> -> memref<1x128xi32, #tpu.memory_space<vmem>>
    %dma_start3A_23 = tpu.memref_squeeze %dma_start3A_22 : memref<1x128xi32, #tpu.memory_space<vmem>> -> memref<128xi32, #tpu.memory_space<vmem>>
    %dma_start3A_24 = arith.constant 0 : i32
    %dma_start3A_25 = tpu.memref_slice %arg6[%dma_start3A_24] : memref<16384xf32, #tpu.memory_space<hbm>> -> memref<16384xf32, #tpu.memory_space<hbm>>
    tpu.enqueue_indirect_dma source(%dma_start3A_20 : memref<128xf32, #tpu.memory_space<vmem>>) target(%dma_start3A_25 : memref<16384xf32, #tpu.memory_space<hbm>>) offsets(%dma_start3A_23 : memref<128xi32, #tpu.memory_space<vmem>>) semaphore(%arg12 : memref<!tpu.dma_semaphore, #tpu.memory_space<semaphore_mem>>)
    %dma_start3A_26 = arith.constant 1 : i32
    %dma_start3A_27 = arith.constant 1 : i32
    %dma_start3A_28 = arith.constant 0 : i32
    %dma_start3A_29 = tpu.memref_slice %arg9[%dma_start3A_26, %dma_start3A_28] : memref<2x128xf32, #tpu.memory_space<vmem>> -> memref<1x128xf32, #tpu.memory_space<vmem>>
    %dma_start3A_30 = tpu.memref_squeeze %dma_start3A_29 : memref<1x128xf32, #tpu.memory_space<vmem>> -> memref<128xf32, #tpu.memory_space<vmem>>
    %dma_start3A_31 = arith.constant 0 : i32
    %dma_start3A_32 = tpu.memref_slice %arg8[%dma_start3A_27, %dma_start3A_31] : memref<2x128xi32, #tpu.memory_space<vmem>> -> memref<1x128xi32, #tpu.memory_space<vmem>>
    %dma_start3A_33 = tpu.memref_squeeze %dma_start3A_32 : memref<1x128xi32, #tpu.memory_space<vmem>> -> memref<128xi32, #tpu.memory_space<vmem>>
    %dma_start3A_34 = arith.constant 0 : i32
    %dma_start3A_35 = tpu.memref_slice %arg6[%dma_start3A_34] : memref<16384xf32, #tpu.memory_space<hbm>> -> memref<16384xf32, #tpu.memory_space<hbm>>
    tpu.enqueue_indirect_dma source(%dma_start3A_30 : memref<128xf32, #tpu.memory_space<vmem>>) target(%dma_start3A_35 : memref<16384xf32, #tpu.memory_space<hbm>>) offsets(%dma_start3A_33 : memref<128xi32, #tpu.memory_space<vmem>>) semaphore(%arg13 : memref<!tpu.dma_semaphore, #tpu.memory_space<semaphore_mem>>)
    %dma_wait3A = arith.constant 0 : i32
    %dma_wait3A_36 = arith.constant 0 : i32
    %dma_wait3A_37 = tpu.memref_slice %arg8[%dma_wait3A, %dma_wait3A_36] : memref<2x128xi32, #tpu.memory_space<vmem>> -> memref<1x128xi32, #tpu.memory_space<vmem>>
    %dma_wait3A_38 = tpu.memref_squeeze %dma_wait3A_37 : memref<1x128xi32, #tpu.memory_space<vmem>> -> memref<128xi32, #tpu.memory_space<vmem>>
    %dma_wait3A_39 = arith.constant 0 : i32
    %dma_wait3A_40 = arith.constant 0 : i32
    %dma_wait3A_41 = tpu.memref_slice %arg5[%dma_wait3A_39, %dma_wait3A_40] : memref<16384x768xf32, #tpu.memory_space<hbm>> -> memref<16384x768xf32, #tpu.memory_space<hbm>>
    tpu.wait_indirect_dma semaphore(%arg10 : memref<!tpu.dma_semaphore, #tpu.memory_space<semaphore_mem>>) src(%arg7 : memref<128x768xf32, #tpu.memory_space<vmem>>) dst(%dma_wait3A_41 : memref<16384x768xf32, #tpu.memory_space<hbm>>)
    %dma_wait3A_42 = arith.constant 1 : i32
    %dma_wait3A_43 = arith.constant 0 : i32
    %dma_wait3A_44 = tpu.memref_slice %arg8[%dma_wait3A_42, %dma_wait3A_43] : memref<2x128xi32, #tpu.memory_space<vmem>> -> memref<1x128xi32, #tpu.memory_space<vmem>>
    %dma_wait3A_45 = tpu.memref_squeeze %dma_wait3A_44 : memref<1x128xi32, #tpu.memory_space<vmem>> -> memref<128xi32, #tpu.memory_space<vmem>>
    %dma_wait3A_46 = arith.constant 0 : i32
    %dma_wait3A_47 = arith.constant 0 : i32
    %dma_wait3A_48 = tpu.memref_slice %arg5[%dma_wait3A_46, %dma_wait3A_47] : memref<16384x768xf32, #tpu.memory_space<hbm>> -> memref<16384x768xf32, #tpu.memory_space<hbm>>
    tpu.wait_indirect_dma semaphore(%arg11 : memref<!tpu.dma_semaphore, #tpu.memory_space<semaphore_mem>>) src(%arg7 : memref<128x768xf32, #tpu.memory_space<vmem>>) dst(%dma_wait3A_48 : memref<16384x768xf32, #tpu.memory_space<hbm>>)
    %dma_wait3A_49 = arith.constant 0 : i32
    %dma_wait3A_50 = arith.constant 0 : i32
    %dma_wait3A_51 = arith.constant 0 : i32
    %dma_wait3A_52 = tpu.memref_slice %arg9[%dma_wait3A_49, %dma_wait3A_51] : memref<2x128xf32, #tpu.memory_space<vmem>> -> memref<1x128xf32, #tpu.memory_space<vmem>>
    %dma_wait3A_53 = tpu.memref_squeeze %dma_wait3A_52 : memref<1x128xf32, #tpu.memory_space<vmem>> -> memref<128xf32, #tpu.memory_space<vmem>>
    %dma_wait3A_54 = arith.constant 0 : i32
    %dma_wait3A_55 = tpu.memref_slice %arg8[%dma_wait3A_50, %dma_wait3A_54] : memref<2x128xi32, #tpu.memory_space<vmem>> -> memref<1x128xi32, #tpu.memory_space<vmem>>
    %dma_wait3A_56 = tpu.memref_squeeze %dma_wait3A_55 : memref<1x128xi32, #tpu.memory_space<vmem>> -> memref<128xi32, #tpu.memory_space<vmem>>
    %dma_wait3A_57 = arith.constant 0 : i32
    %dma_wait3A_58 = tpu.memref_slice %arg6[%dma_wait3A_57] : memref<16384xf32, #tpu.memory_space<hbm>> -> memref<16384xf32, #tpu.memory_space<hbm>>
    tpu.wait_indirect_dma semaphore(%arg12 : memref<!tpu.dma_semaphore, #tpu.memory_space<semaphore_mem>>) src(%dma_wait3A_53 : memref<128xf32, #tpu.memory_space<vmem>>) dst(%dma_wait3A_58 : memref<16384xf32, #tpu.memory_space<hbm>>)
    %dma_wait3A_59 = arith.constant 1 : i32
    %dma_wait3A_60 = arith.constant 1 : i32
    %dma_wait3A_61 = arith.constant 0 : i32
    %dma_wait3A_62 = tpu.memref_slice %arg9[%dma_wait3A_59, %dma_wait3A_61] : memref<2x128xf32, #tpu.memory_space<vmem>> -> memref<1x128xf32, #tpu.memory_space<vmem>>
    %dma_wait3A_63 = tpu.memref_squeeze %dma_wait3A_62 : memref<1x128xf32, #tpu.memory_space<vmem>> -> memref<128xf32, #tpu.memory_space<vmem>>
    %dma_wait3A_64 = arith.constant 0 : i32
    %dma_wait3A_65 = tpu.memref_slice %arg8[%dma_wait3A_60, %dma_wait3A_64] : memref<2x128xi32, #tpu.memory_space<vmem>> -> memref<1x128xi32, #tpu.memory_space<vmem>>
    %dma_wait3A_66 = tpu.memref_squeeze %dma_wait3A_65 : memref<1x128xi32, #tpu.memory_space<vmem>> -> memref<128xi32, #tpu.memory_space<vmem>>
    %dma_wait3A_67 = arith.constant 0 : i32
    %dma_wait3A_68 = tpu.memref_slice %arg6[%dma_wait3A_67] : memref<16384xf32, #tpu.memory_space<hbm>> -> memref<16384xf32, #tpu.memory_space<hbm>>
    tpu.wait_indirect_dma semaphore(%arg13 : memref<!tpu.dma_semaphore, #tpu.memory_space<semaphore_mem>>) src(%dma_wait3A_63 : memref<128xf32, #tpu.memory_space<vmem>>) dst(%dma_wait3A_68 : memref<16384xf32, #tpu.memory_space<hbm>>)
    return
  }
}

#map = affine_map<(d0, d1) -> (0, 0)>
#map1 = affine_map<(d0, d1) -> (0)>
module attributes {stable_mosaic.version = 14 : i64} {
  func.func @k(%arg0: i32, %arg1: i32, %arg2: memref<16384x768xf32, #tpu.memory_space<hbm>>, %arg3: memref<4096xi32, #tpu.memory_space<hbm>>, %arg4: memref<4096xi32, #tpu.memory_space<hbm>>, %arg5: memref<4096x768xf32, #tpu.memory_space<hbm>>, %arg6: memref<64xi32, #tpu.memory_space<vmem>>, %arg7: memref<64xi32, #tpu.memory_space<vmem>>, %arg8: memref<64x768xf32, #tpu.memory_space<vmem>>, %arg9: memref<64x768xf32, #tpu.memory_space<vmem>>, %arg10: memref<!tpu.dma_semaphore, #tpu.memory_space<semaphore_mem>>, %arg11: memref<!tpu.dma_semaphore, #tpu.memory_space<semaphore_mem>>) attributes {dimension_semantics = [#tpu.dimension_semantics<core_parallel>, #tpu.dimension_semantics<subcore_parallel>], iteration_bounds = array<i64: 2, 16>, scalar_prefetch = 0 : i64, scratch_operands = 6 : i64, tpu.core_type = #tpu.core_type<sc_vector_subcore>, window_params = [{transform_indices = #map}, {transform_indices = #map1}, {transform_indices = #map1}, {transform_indices = #map}]} {
    %mul3A = arith.constant 2 : i32
    %mul3A_0 = arith.muli %arg1, %mul3A : i32
    %add3A = arith.addi %mul3A_0, %arg0 : i32
    %mul3A_1 = arith.constant 128 : i32
    %mul3A_2 = arith.muli %add3A, %mul3A_1 : i32
    %scan3A = arith.constant 0 : i32
    %scan3A_3 = arith.constant 0 : i32
    %scan3A_4 = arith.constant 2 : i32
    %scan3A_5 = arith.addi %scan3A_3, %scan3A_4 : i32
    %scan3A_6 = arith.constant 1 : i32
    scf.for %scan3A_8 = %scan3A_3 to %scan3A_5 step %scan3A_6  : i32 {
      %mul3A_9 = arith.constant 64 : i32
      %mul3A_10 = arith.muli %scan3A_8, %mul3A_9 : i32
      %add3A_11 = arith.addi %mul3A_2, %mul3A_10 : i32
      "tpu.region"() ({
        %run_scoped3A = tpu.sem_alloc : memref<!tpu.dma_semaphore, #tpu.memory_space<semaphore_mem>>
        %dma_start3A_28 = tpu.memref_slice %arg3[%add3A_11] : memref<4096xi32, #tpu.memory_space<hbm>> -> memref<64xi32, #tpu.memory_space<hbm>>
        %dma_start3A_29 = tpu.memref_slice %arg3[%add3A_11] : memref<4096xi32, #tpu.memory_space<hbm>> -> memref<64xi32, #tpu.memory_space<hbm>>
        tpu.enqueue_dma source(%dma_start3A_29 : memref<64xi32, #tpu.memory_space<hbm>>) target(%arg6 : memref<64xi32, #tpu.memory_space<vmem>>) target_semaphore(%run_scoped3A : memref<!tpu.dma_semaphore, #tpu.memory_space<semaphore_mem>>)
        %dma_wait3A_30 = tpu.memref_slice %arg3[%add3A_11] : memref<4096xi32, #tpu.memory_space<hbm>> -> memref<64xi32, #tpu.memory_space<hbm>>
        %dma_wait3A_31 = tpu.memref_slice %arg3[%add3A_11] : memref<4096xi32, #tpu.memory_space<hbm>> -> memref<64xi32, #tpu.memory_space<hbm>>
        tpu.wait_dma2 semaphore(%run_scoped3A : memref<!tpu.dma_semaphore, #tpu.memory_space<semaphore_mem>>) src(%dma_wait3A_31 : memref<64xi32, #tpu.memory_space<hbm>>) dst(%arg6 : memref<64xi32, #tpu.memory_space<vmem>>)
        tpu.yield
      }) : () -> ()
      "tpu.region"() ({
        %run_scoped3A = tpu.sem_alloc : memref<!tpu.dma_semaphore, #tpu.memory_space<semaphore_mem>>
        %dma_start3A_28 = tpu.memref_slice %arg4[%add3A_11] : memref<4096xi32, #tpu.memory_space<hbm>> -> memref<64xi32, #tpu.memory_space<hbm>>
        %dma_start3A_29 = tpu.memref_slice %arg4[%add3A_11] : memref<4096xi32, #tpu.memory_space<hbm>> -> memref<64xi32, #tpu.memory_space<hbm>>
        tpu.enqueue_dma source(%dma_start3A_29 : memref<64xi32, #tpu.memory_space<hbm>>) target(%arg7 : memref<64xi32, #tpu.memory_space<vmem>>) target_semaphore(%run_scoped3A : memref<!tpu.dma_semaphore, #tpu.memory_space<semaphore_mem>>)
        %dma_wait3A_30 = tpu.memref_slice %arg4[%add3A_11] : memref<4096xi32, #tpu.memory_space<hbm>> -> memref<64xi32, #tpu.memory_space<hbm>>
        %dma_wait3A_31 = tpu.memref_slice %arg4[%add3A_11] : memref<4096xi32, #tpu.memory_space<hbm>> -> memref<64xi32, #tpu.memory_space<hbm>>
        tpu.wait_dma2 semaphore(%run_scoped3A : memref<!tpu.dma_semaphore, #tpu.memory_space<semaphore_mem>>) src(%dma_wait3A_31 : memref<64xi32, #tpu.memory_space<hbm>>) dst(%arg7 : memref<64xi32, #tpu.memory_space<vmem>>)
        tpu.yield
      }) : () -> ()
      %dma_start3A = arith.constant 0 : i32
      %dma_start3A_12 = arith.constant 0 : i32
      %dma_start3A_13 = tpu.memref_slice %arg2[%dma_start3A, %dma_start3A_12] : memref<16384x768xf32, #tpu.memory_space<hbm>> -> memref<16384x768xf32, #tpu.memory_space<hbm>>
      tpu.enqueue_indirect_dma source(%dma_start3A_13 : memref<16384x768xf32, #tpu.memory_space<hbm>>) target(%arg8 : memref<64x768xf32, #tpu.memory_space<vmem>>) offsets(%arg6 : memref<64xi32, #tpu.memory_space<vmem>>) semaphore(%arg10 : memref<!tpu.dma_semaphore, #tpu.memory_space<semaphore_mem>>)
      %dma_start3A_14 = arith.constant 0 : i32
      %dma_start3A_15 = arith.constant 0 : i32
      %dma_start3A_16 = tpu.memref_slice %arg2[%dma_start3A_14, %dma_start3A_15] : memref<16384x768xf32, #tpu.memory_space<hbm>> -> memref<16384x768xf32, #tpu.memory_space<hbm>>
      tpu.enqueue_indirect_dma source(%dma_start3A_16 : memref<16384x768xf32, #tpu.memory_space<hbm>>) target(%arg9 : memref<64x768xf32, #tpu.memory_space<vmem>>) offsets(%arg7 : memref<64xi32, #tpu.memory_space<vmem>>) semaphore(%arg11 : memref<!tpu.dma_semaphore, #tpu.memory_space<semaphore_mem>>)
      %dma_wait3A = arith.constant 0 : i32
      %dma_wait3A_17 = arith.constant 0 : i32
      %dma_wait3A_18 = tpu.memref_slice %arg2[%dma_wait3A, %dma_wait3A_17] : memref<16384x768xf32, #tpu.memory_space<hbm>> -> memref<16384x768xf32, #tpu.memory_space<hbm>>
      tpu.wait_indirect_dma semaphore(%arg10 : memref<!tpu.dma_semaphore, #tpu.memory_space<semaphore_mem>>) src(%dma_wait3A_18 : memref<16384x768xf32, #tpu.memory_space<hbm>>) dst(%arg8 : memref<64x768xf32, #tpu.memory_space<vmem>>)
      %dma_wait3A_19 = arith.constant 0 : i32
      %dma_wait3A_20 = arith.constant 0 : i32
      %dma_wait3A_21 = tpu.memref_slice %arg2[%dma_wait3A_19, %dma_wait3A_20] : memref<16384x768xf32, #tpu.memory_space<hbm>> -> memref<16384x768xf32, #tpu.memory_space<hbm>>
      tpu.wait_indirect_dma semaphore(%arg11 : memref<!tpu.dma_semaphore, #tpu.memory_space<semaphore_mem>>) src(%dma_wait3A_21 : memref<16384x768xf32, #tpu.memory_space<hbm>>) dst(%arg9 : memref<64x768xf32, #tpu.memory_space<vmem>>)
      %scan3A_22 = arith.constant 0 : i32
      %scan3A_23 = arith.constant 0 : i32
      %scan3A_24 = arith.constant 3072 : i32
      %scan3A_25 = arith.addi %scan3A_23, %scan3A_24 : i32
      %scan3A_26 = arith.constant 1 : i32
      scf.for %scan3A_28 = %scan3A_23 to %scan3A_25 step %scan3A_26  : i32 {
        %jit3A = arith.constant 48 : i32
        %div3A = arith.divsi %scan3A_28, %jit3A : i32
        %sign3A = arith.constant 0 : i32
        %sign3A_29 = arith.cmpi sgt, %scan3A_28, %sign3A : i32
        %sign3A_30 = arith.extui %sign3A_29 : i1 to i32
        %sign3A_31 = arith.constant 0 : i32
        %sign3A_32 = arith.cmpi slt, %scan3A_28, %sign3A_31 : i32
        %sign3A_33 = arith.extui %sign3A_32 : i1 to i32
        %sign3A_34 = arith.subi %sign3A_30, %sign3A_33 : i32
        %sign3A_35 = arith.constant 0 : i32
        %sign3A_36 = arith.cmpi sgt, %jit3A, %sign3A_35 : i32
        %sign3A_37 = arith.extui %sign3A_36 : i1 to i32
        %sign3A_38 = arith.constant 0 : i32
        %sign3A_39 = arith.cmpi slt, %jit3A, %sign3A_38 : i32
        %sign3A_40 = arith.extui %sign3A_39 : i1 to i32
        %sign3A_41 = arith.subi %sign3A_37, %sign3A_40 : i32
        %ne3A = arith.cmpi ne, %sign3A_34, %sign3A_41 : i32
        %rem3A = arith.remsi %scan3A_28, %jit3A : i32
        %ne3A_42 = arith.constant 0 : i32
        %ne3A_43 = arith.cmpi ne, %rem3A, %ne3A_42 : i32
        %and3A = arith.andi %ne3A, %ne3A_43 : i1
        %sub3A = arith.constant 1 : i32
        %sub3A_44 = arith.subi %div3A, %sub3A : i32
        %select_n3A = arith.select %and3A, %sub3A_44, %div3A : i32
        %jit3A_45 = arith.constant 48 : i32
        %eq3A = arith.constant 0 : i32
        %eq3A_46 = arith.cmpi eq, %jit3A_45, %eq3A : i32
        %jit3A_47 = arith.constant 1 : i32
        %select_n3A_48 = arith.select %eq3A_46, %jit3A_47, %jit3A_45 : i32
        %rem3A_49 = arith.remsi %scan3A_28, %select_n3A_48 : i32
        %ne3A_50 = arith.constant 0 : i32
        %ne3A_51 = arith.cmpi ne, %rem3A_49, %ne3A_50 : i32
        %lt3A = arith.constant 0 : i32
        %lt3A_52 = arith.cmpi slt, %rem3A_49, %lt3A : i32
        %lt3A_53 = arith.constant 0 : i32
        %lt3A_54 = arith.cmpi slt, %select_n3A_48, %lt3A_53 : i32
        %ne3A_55 = arith.xori %lt3A_52, %lt3A_54 : i1
        %and3A_56 = arith.andi %ne3A_55, %ne3A_51 : i1
        %add3A_57 = arith.addi %rem3A_49, %select_n3A_48 : i32
        %select_n3A_58 = arith.select %and3A_56, %add3A_57, %rem3A_49 : i32
        %mul3A_59 = arith.constant 16 : i32
        %mul3A_60 = arith.muli %select_n3A_58, %mul3A_59 : i32
        %get3A = arith.index_cast %select_n3A : i32 to index
        %get3A_61 = arith.index_cast %mul3A_60 : i32 to index
        %get3A_62 = tpu.vector_load %arg8[%get3A, %get3A_61] {strides = array<i32>} : memref<64x768xf32, #tpu.memory_space<vmem>>, vector<1x16xf32>,
        %get3A_63 = vector.shape_cast %get3A_62 : vector<1x16xf32> to vector<16xf32>
        %get3A_64 = arith.index_cast %select_n3A : i32 to index
        %get3A_65 = arith.index_cast %mul3A_60 : i32 to index
        %get3A_66 = tpu.vector_load %arg9[%get3A_64, %get3A_65] {strides = array<i32>} : memref<64x768xf32, #tpu.memory_space<vmem>>, vector<1x16xf32>,
        %get3A_67 = vector.shape_cast %get3A_66 : vector<1x16xf32> to vector<16xf32>
        %add3A_68 = arith.addf %get3A_63, %get3A_67 : vector<16xf32>
        %swap3A = arith.index_cast %select_n3A : i32 to index
        %swap3A_69 = arith.index_cast %mul3A_60 : i32 to index
        %swap3A_70 = tpu.vector_load %arg8[%swap3A, %swap3A_69] {strides = array<i32>} : memref<64x768xf32, #tpu.memory_space<vmem>>, vector<1x16xf32>,
        %swap3A_71 = vector.shape_cast %swap3A_70 : vector<1x16xf32> to vector<16xf32>
        %swap3A_72 = vector.shape_cast %add3A_68 : vector<16xf32> to vector<1x16xf32>
        tpu.vector_store %arg8[%swap3A, %swap3A_69], %swap3A_72 {strides = array<i32>} : memref<64x768xf32, #tpu.memory_space<vmem>>, vector<1x16xf32>,
      }
      %scan3A_27 = arith.constant 3072 : i32
      "tpu.region"() ({
        %run_scoped3A = tpu.sem_alloc : memref<!tpu.dma_semaphore, #tpu.memory_space<semaphore_mem>>
        %dma_start3A_28 = arith.constant 0 : i32
        %dma_start3A_29 = tpu.memref_slice %arg5[%add3A_11, %dma_start3A_28] : memref<4096x768xf32, #tpu.memory_space<hbm>> -> memref<64x768xf32, #tpu.memory_space<hbm>>
        %dma_start3A_30 = arith.constant 0 : i32
        %dma_start3A_31 = tpu.memref_slice %arg5[%add3A_11, %dma_start3A_30] : memref<4096x768xf32, #tpu.memory_space<hbm>> -> memref<64x768xf32, #tpu.memory_space<hbm>>
        tpu.enqueue_dma source(%arg8 : memref<64x768xf32, #tpu.memory_space<vmem>>) target(%dma_start3A_31 : memref<64x768xf32, #tpu.memory_space<hbm>>) target_semaphore(%run_scoped3A : memref<!tpu.dma_semaphore, #tpu.memory_space<semaphore_mem>>)
        %dma_wait3A_32 = arith.constant 0 : i32
        %dma_wait3A_33 = tpu.memref_slice %arg5[%add3A_11, %dma_wait3A_32] : memref<4096x768xf32, #tpu.memory_space<hbm>> -> memref<64x768xf32, #tpu.memory_space<hbm>>
        %dma_wait3A_34 = arith.constant 0 : i32
        %dma_wait3A_35 = tpu.memref_slice %arg5[%add3A_11, %dma_wait3A_34] : memref<4096x768xf32, #tpu.memory_space<hbm>> -> memref<64x768xf32, #tpu.memory_space<hbm>>
        tpu.wait_dma2 semaphore(%run_scoped3A : memref<!tpu.dma_semaphore, #tpu.memory_space<semaphore_mem>>) src(%arg8 : memref<64x768xf32, #tpu.memory_space<vmem>>) dst(%dma_wait3A_35 : memref<64x768xf32, #tpu.memory_space<hbm>>)
        tpu.yield
      }) : () -> ()
    }
    %scan3A_7 = arith.constant 2 : i32
    return
  }
}

module attributes {stable_mosaic.version = 14 : i64} {
  func.func @_router_body(%arg0: i32, %arg1: memref<256x768xf32, #tpu.memory_space<vmem>>, %arg2: memref<768x64xf32, #tpu.memory_space<vmem>>, %arg3: memref<256x2xf32, #tpu.memory_space<vmem>>, %arg4: memref<256x2xi32, #tpu.memory_space<vmem>>, %arg5: memref<512x1xi32, #tpu.memory_space<vmem>>, %arg6: memref<1x64xi32, #tpu.memory_space<vmem>>, %arg7: memref<8x64xi32, #tpu.memory_space<vmem>>, %arg8: memref<512x512xf32, #tpu.memory_space<vmem>>) attributes {dimension_semantics = [#tpu.dimension_semantics<arbitrary>], iteration_bounds = array<i64: 16>, scalar_prefetch = 0 : i64, scratch_operands = 2 : i64, tpu.core_type = #tpu.core_type<tc>, window_params = [{transform_indices = @transform_0, window_bounds = array<i64: 256, 768>}, {pipeline_mode = #tpu.pipeline_mode<synchronous>, transform_indices = @transform_1, window_bounds = array<i64: 768, 64>}, {transform_indices = @transform_2, window_bounds = array<i64: 256, 2>}, {transform_indices = @transform_3, window_bounds = array<i64: 256, 2>}, {transform_indices = @transform_4, window_bounds = array<i64: 512, 1>}, {pipeline_mode = #tpu.pipeline_mode<synchronous>, transform_indices = @transform_5, window_bounds = array<i64: 1, 64>}]} {
    %eq3A = arith.constant 0 : i32
    %eq3A_0 = arith.cmpi eq, %arg0, %eq3A : i32
    %convert_element_type3A = arith.extui %eq3A_0 : i1 to i32
    %cond3A = arith.constant 0 : i32
    %cond3A_1 = arith.cmpi ne, %convert_element_type3A, %cond3A : i32
    scf.if %cond3A_1 {
      %broadcast_in_dim3A_82 = arith.constant 0 : i32
      %broadcast_in_dim3A_83 = vector.broadcast %broadcast_in_dim3A_82 : i32 to vector<8x64xi32>
      %swap3A_84 = arith.constant 0 : index
      %swap3A_85 = arith.constant 0 : index
      %swap3A_86 = vector.load %arg7[%swap3A_84, %swap3A_85] : memref<8x64xi32, #tpu.memory_space<vmem>>, vector<8x64xi32>
      tpu.vector_store %arg7[%swap3A_84, %swap3A_85], %broadcast_in_dim3A_83 {strides = array<i32>} : memref<8x64xi32, #tpu.memory_space<vmem>>, vector<8x64xi32>,
      %iota3A_87 = tpu.iota {dimensions = array<i32: 0>} : vector<512x512xi32>
      %iota3A_88 = tpu.iota {dimensions = array<i32: 1>} : vector<512x512xi32>
      %lt3A = arith.cmpi slt, %iota3A_88, %iota3A_87 : vector<512x512xi32>
      %convert_element_type3A_89 = arith.extui %lt3A : vector<512x512xi1> to vector<512x512xi32>
      %convert_element_type3A_90 = arith.sitofp %convert_element_type3A_89 : vector<512x512xi32> to vector<512x512xf32>
      %swap3A_91 = arith.constant 0 : index
      %swap3A_92 = arith.constant 0 : index
      %swap3A_93 = vector.load %arg8[%swap3A_91, %swap3A_92] : memref<512x512xf32, #tpu.memory_space<vmem>>, vector<512x512xf32>
      tpu.vector_store %arg8[%swap3A_91, %swap3A_92], %convert_element_type3A_90 {strides = array<i32>} : memref<512x512xf32, #tpu.memory_space<vmem>>, vector<512x512xf32>,
    } else {
    }
    %get3A = arith.constant 0 : index
    %get3A_2 = arith.constant 0 : index
    %get3A_3 = vector.load %arg1[%get3A, %get3A_2] : memref<256x768xf32, #tpu.memory_space<vmem>>, vector<256x768xf32>
    %get3A_4 = arith.constant 0 : index
    %get3A_5 = arith.constant 0 : index
    %get3A_6 = vector.load %arg2[%get3A_4, %get3A_5] : memref<768x64xf32, #tpu.memory_space<vmem>>, vector<768x64xf32>
    %dot_general3A = arith.constant dense<0.000000e+00> : vector<256x64xf32>
    %dot_general3A_7 = tpu.matmul %get3A_3, %get3A_6, %dot_general3A {dimension_numbers = #tpu.dot_dimension_numbers<[1], [0], [0], [1], [0, 0, 1, 1], [], []>, transpose_lhs_hint = false} : vector<256x768xf32>, vector<768x64xf32>, vector<256x64xf32> -> vector<256x64xf32>
    %reduce_max3A = arith.constant dense<0xFF800000> : vector<256xf32>
    %reduce_max3A_8 = vector.multi_reduction <maximumf>, %dot_general3A_7, %reduce_max3A [1] : vector<256x64xf32> to vector<256xf32>
    %broadcast_in_dim3A = vector.shape_cast %reduce_max3A_8 : vector<256xf32> to vector<256x1xf32>
    %sub3A = vector.broadcast %broadcast_in_dim3A : vector<256x1xf32> to vector<256x64xf32>
    %sub3A_9 = arith.subf %dot_general3A_7, %sub3A : vector<256x64xf32>
    %exp3A = math.exp %sub3A_9 : vector<256x64xf32>
    %reduce_sum3A = arith.constant dense<0.000000e+00> : vector<256xf32>
    %reduce_sum3A_10 = vector.multi_reduction <add>, %exp3A, %reduce_sum3A [1] : vector<256x64xf32> to vector<256xf32>
    %broadcast_in_dim3A_11 = vector.shape_cast %reduce_sum3A_10 : vector<256xf32> to vector<256x1xf32>
    %div3A = vector.broadcast %broadcast_in_dim3A_11 : vector<256x1xf32> to vector<256x64xf32>
    %div3A_12 = arith.divf %exp3A, %div3A : vector<256x64xf32>
    %iota3A = tpu.iota {dimensions = array<i32: 1>} : vector<256x64xi32>
    %reduce_max3A_13 = arith.constant dense<0xFF800000> : vector<256xf32>
    %reduce_max3A_14 = vector.multi_reduction <maximumf>, %div3A_12, %reduce_max3A_13 [1] : vector<256x64xf32> to vector<256xf32>
    %broadcast_in_dim3A_15 = vector.shape_cast %reduce_max3A_14 : vector<256xf32> to vector<256x1xf32>
    %eq3A_16 = vector.broadcast %broadcast_in_dim3A_15 : vector<256x1xf32> to vector<256x64xf32>
    %eq3A_17 = arith.cmpf oeq, %div3A_12, %eq3A_16 : vector<256x64xf32>
    %jit3A = arith.constant 64 : i32
    %broadcast_in_dim3A_18 = vector.broadcast %jit3A : i32 to vector<256x64xi32>
    %select_n3A = arith.select %eq3A_17, %iota3A, %broadcast_in_dim3A_18 : vector<256x64xi1>, vector<256x64xi32>
    %reduce_min3A = arith.constant dense<2147483647> : vector<256xi32>
    %reduce_min3A_19 = vector.multi_reduction <minsi>, %select_n3A, %reduce_min3A [1] : vector<256x64xi32> to vector<256xi32>
    %broadcast_in_dim3A_20 = vector.shape_cast %reduce_min3A_19 : vector<256xi32> to vector<256x1xi32>
    %eq3A_21 = vector.broadcast %broadcast_in_dim3A_20 : vector<256x1xi32> to vector<256x64xi32>
    %eq3A_22 = arith.cmpi eq, %iota3A, %eq3A_21 : vector<256x64xi32>
    %jit3A_23 = arith.constant -1.000000e+00 : f32
    %broadcast_in_dim3A_24 = vector.broadcast %jit3A_23 : f32 to vector<256x64xf32>
    %select_n3A_25 = arith.select %eq3A_22, %broadcast_in_dim3A_24, %div3A_12 : vector<256x64xi1>, vector<256x64xf32>
    %reduce_max3A_26 = arith.constant dense<0xFF800000> : vector<256xf32>
    %reduce_max3A_27 = vector.multi_reduction <maximumf>, %select_n3A_25, %reduce_max3A_26 [1] : vector<256x64xf32> to vector<256xf32>
    %broadcast_in_dim3A_28 = vector.shape_cast %reduce_max3A_27 : vector<256xf32> to vector<256x1xf32>
    %eq3A_29 = vector.broadcast %broadcast_in_dim3A_28 : vector<256x1xf32> to vector<256x64xf32>
    %eq3A_30 = arith.cmpf oeq, %select_n3A_25, %eq3A_29 : vector<256x64xf32>
    %jit3A_31 = arith.constant 64 : i32
    %broadcast_in_dim3A_32 = vector.broadcast %jit3A_31 : i32 to vector<256x64xi32>
    %select_n3A_33 = arith.select %eq3A_30, %iota3A, %broadcast_in_dim3A_32 : vector<256x64xi1>, vector<256x64xi32>
    %reduce_min3A_34 = arith.constant dense<2147483647> : vector<256xi32>
    %reduce_min3A_35 = vector.multi_reduction <minsi>, %select_n3A_33, %reduce_min3A_34 [1] : vector<256x64xi32> to vector<256xi32>
    %broadcast_in_dim3A_36 = vector.shape_cast %reduce_min3A_35 : vector<256xi32> to vector<256x1xi32>
    %concatenate3A = tpu.concatenate %broadcast_in_dim3A_15, %broadcast_in_dim3A_28 in 1 : vector<256x1xf32>, vector<256x1xf32> -> vector<256x2xf32>
    %swap3A = arith.constant 0 : index
    %swap3A_37 = arith.constant 0 : index
    %swap3A_38 = vector.load %arg3[%swap3A, %swap3A_37] : memref<256x2xf32, #tpu.memory_space<vmem>>, vector<256x2xf32>
    tpu.vector_store %arg3[%swap3A, %swap3A_37], %concatenate3A {strides = array<i32>} : memref<256x2xf32, #tpu.memory_space<vmem>>, vector<256x2xf32>,
    %concatenate3A_39 = tpu.concatenate %broadcast_in_dim3A_20, %broadcast_in_dim3A_36 in 1 : vector<256x1xi32>, vector<256x1xi32> -> vector<256x2xi32>
    %swap3A_40 = arith.constant 0 : index
    %swap3A_41 = arith.constant 0 : index
    %swap3A_42 = vector.load %arg4[%swap3A_40, %swap3A_41] : memref<256x2xi32, #tpu.memory_space<vmem>>, vector<256x2xi32>
    tpu.vector_store %arg4[%swap3A_40, %swap3A_41], %concatenate3A_39 {strides = array<i32>} : memref<256x2xi32, #tpu.memory_space<vmem>>, vector<256x2xi32>,
    %iota3A_43 = tpu.iota {dimensions = array<i32: 1>} : vector<256x64xi32>
    %eq3A_44 = vector.broadcast %broadcast_in_dim3A_20 : vector<256x1xi32> to vector<256x64xi32>
    %eq3A_45 = arith.cmpi eq, %eq3A_44, %iota3A_43 : vector<256x64xi32>
    %convert_element_type3A_46 = arith.extui %eq3A_45 : vector<256x64xi1> to vector<256x64xi32>
    %convert_element_type3A_47 = arith.sitofp %convert_element_type3A_46 : vector<256x64xi32> to vector<256x64xf32>
    %eq3A_48 = vector.broadcast %broadcast_in_dim3A_36 : vector<256x1xi32> to vector<256x64xi32>
    %eq3A_49 = arith.cmpi eq, %eq3A_48, %iota3A_43 : vector<256x64xi32>
    %convert_element_type3A_50 = arith.extui %eq3A_49 : vector<256x64xi1> to vector<256x64xi32>
    %convert_element_type3A_51 = arith.sitofp %convert_element_type3A_50 : vector<256x64xi32> to vector<256x64xf32>
    %concatenate3A_52 = tpu.concatenate %convert_element_type3A_47, %convert_element_type3A_51 in 0 : vector<256x64xf32>, vector<256x64xf32> -> vector<512x64xf32>
    %get3A_53 = arith.constant 0 : index
    %get3A_54 = arith.constant 0 : index
    %get3A_55 = vector.load %arg8[%get3A_53, %get3A_54] : memref<512x512xf32, #tpu.memory_space<vmem>>, vector<512x512xf32>
    %dot_general3A_56 = arith.constant dense<0.000000e+00> : vector<512x64xf32>
    %dot_general3A_57 = tpu.matmul %get3A_55, %concatenate3A_52, %dot_general3A_56 {dimension_numbers = #tpu.dot_dimension_numbers<[1], [0], [0], [1], [0, 0, 1, 1], [], []>, transpose_lhs_hint = false} : vector<512x512xf32>, vector<512x64xf32>, vector<512x64xf32> -> vector<512x64xf32>
    %get3A_58 = arith.constant 0 : index
    %get3A_59 = arith.constant 0 : index
    %get3A_60 = vector.load %arg7[%get3A_58, %get3A_59] : memref<8x64xi32, #tpu.memory_space<vmem>>, vector<1x64xi32>
    %convert_element_type3A_61 = arith.sitofp %get3A_60 : vector<1x64xi32> to vector<1x64xf32>
    %add3A = vector.broadcast %convert_element_type3A_61 : vector<1x64xf32> to vector<512x64xf32>
    %add3A_62 = arith.addf %dot_general3A_57, %add3A : vector<512x64xf32>
    %mul3A = arith.mulf %concatenate3A_52, %add3A_62 : vector<512x64xf32>
    %reduce_sum3A_63 = arith.constant dense<0.000000e+00> : vector<512xf32>
    %reduce_sum3A_64 = vector.multi_reduction <add>, %mul3A, %reduce_sum3A_63 [1] : vector<512x64xf32> to vector<512xf32>
    %broadcast_in_dim3A_65 = vector.shape_cast %reduce_sum3A_64 : vector<512xf32> to vector<512x1xf32>
    %convert_element_type3A_66 = arith.fptosi %broadcast_in_dim3A_65 : vector<512x1xf32> to vector<512x1xi32>
    %swap3A_67 = arith.constant 0 : index
    %swap3A_68 = arith.constant 0 : index
    %swap3A_69 = vector.load %arg5[%swap3A_67, %swap3A_68] : memref<512x1xi32, #tpu.memory_space<vmem>>, vector<512x1xi32>
    tpu.vector_store %arg5[%swap3A_67, %swap3A_68], %convert_element_type3A_66 {strides = array<i32>} : memref<512x1xi32, #tpu.memory_space<vmem>>, vector<512x1xi32>,
    %reduce_sum3A_70 = arith.constant dense<0.000000e+00> : vector<64xf32>
    %reduce_sum3A_71 = vector.multi_reduction <add>, %concatenate3A_52, %reduce_sum3A_70 [0] : vector<512x64xf32> to vector<64xf32>
    %broadcast_in_dim3A_72 = vector.shape_cast %reduce_sum3A_71 : vector<64xf32> to vector<1x64xf32>
    %add3A_73 = arith.addf %convert_element_type3A_61, %broadcast_in_dim3A_72 : vector<1x64xf32>
    %convert_element_type3A_74 = arith.fptosi %add3A_73 : vector<1x64xf32> to vector<1x64xi32>
    %swap3A_75 = arith.constant 0 : index
    %swap3A_76 = arith.constant 0 : index
    %swap3A_77 = vector.load %arg7[%swap3A_75, %swap3A_76] : memref<8x64xi32, #tpu.memory_space<vmem>>, vector<1x64xi32>
    tpu.vector_store %arg7[%swap3A_75, %swap3A_76], %convert_element_type3A_74 {strides = array<i32>} : memref<8x64xi32, #tpu.memory_space<vmem>>, vector<1x64xi32>,
    %convert_element_type3A_78 = arith.fptosi %add3A_73 : vector<1x64xf32> to vector<1x64xi32>
    %swap3A_79 = arith.constant 0 : index
    %swap3A_80 = arith.constant 0 : index
    %swap3A_81 = vector.load %arg6[%swap3A_79, %swap3A_80] : memref<1x64xi32, #tpu.memory_space<vmem>>, vector<1x64xi32>
    tpu.vector_store %arg6[%swap3A_79, %swap3A_80], %convert_element_type3A_78 {strides = array<i32>} : memref<1x64xi32, #tpu.memory_space<vmem>>, vector<1x64xi32>,
    return
  }
  func.func @transform_0(%arg0: i32) -> (i32, i32) {
    %c0_i32 = arith.constant 0 : i32
    %c0_i32_0 = arith.constant 0 : i32
    return %arg0, %c0_i32 : i32, i32
  }
  func.func @transform_1(%arg0: i32) -> (i32, i32) {
    %c0_i32 = arith.constant 0 : i32
    %c0_i32_0 = arith.constant 0 : i32
    %c0_i32_1 = arith.constant 0 : i32
    return %c0_i32, %c0_i32_0 : i32, i32
  }
  func.func @transform_2(%arg0: i32) -> (i32, i32) {
    %c0_i32 = arith.constant 0 : i32
    %c0_i32_0 = arith.constant 0 : i32
    return %arg0, %c0_i32 : i32, i32
  }
  func.func @transform_3(%arg0: i32) -> (i32, i32) {
    %c0_i32 = arith.constant 0 : i32
    %c0_i32_0 = arith.constant 0 : i32
    return %arg0, %c0_i32 : i32, i32
  }
  func.func @transform_4(%arg0: i32) -> (i32, i32) {
    %c0_i32 = arith.constant 0 : i32
    %c0_i32_0 = arith.constant 0 : i32
    return %arg0, %c0_i32 : i32, i32
  }
  func.func @transform_5(%arg0: i32) -> (i32, i32) {
    %c0_i32 = arith.constant 0 : i32
    %c0_i32_0 = arith.constant 0 : i32
    %c0_i32_1 = arith.constant 0 : i32
    return %c0_i32, %c0_i32_0 : i32, i32
  }
}

module attributes {stable_mosaic.version = 14 : i64} {
  func.func @_ffn_body(%arg0: i32, %arg1: memref<129xi32, #tpu.memory_space<smem>>, %arg2: memref<128x768xf32, #tpu.memory_space<vmem>>, %arg3: memref<1x768x768xf32, #tpu.memory_space<vmem>>, %arg4: memref<1x1x768xf32, #tpu.memory_space<vmem>>, %arg5: memref<1x768x768xf32, #tpu.memory_space<vmem>>, %arg6: memref<1x1x768xf32, #tpu.memory_space<vmem>>, %arg7: memref<128x1xf32, #tpu.memory_space<vmem>>, %arg8: memref<128x768xf32, #tpu.memory_space<vmem>>) attributes {dimension_semantics = [#tpu.dimension_semantics<arbitrary>], iteration_bounds = array<i64: 128>, scalar_prefetch = 1 : i64, scratch_operands = 0 : i64, tpu.core_type = #tpu.core_type<tc>, window_params = [{transform_indices = @transform_0, window_bounds = array<i64: 128, 768>}, {transform_indices = @transform_1, window_bounds = array<i64: 1, 768, 768>}, {transform_indices = @transform_2, window_bounds = array<i64: 1, 1, 768>}, {transform_indices = @transform_3, window_bounds = array<i64: 1, 768, 768>}, {transform_indices = @transform_4, window_bounds = array<i64: 1, 1, 768>}, {transform_indices = @transform_5, window_bounds = array<i64: 128, 1>}, {transform_indices = @transform_6, window_bounds = array<i64: 128, 768>}]} {
    %get3A = arith.constant 128 : index
    %get3A_0 = memref.load %arg1[%get3A] : memref<129xi32, #tpu.memory_space<smem>>
    %lt3A = arith.cmpi slt, %arg0, %get3A_0 : i32
    %convert_element_type3A = arith.extui %lt3A : i1 to i32
    %cond3A = arith.constant 0 : i32
    %cond3A_1 = arith.cmpi ne, %convert_element_type3A, %cond3A : i32
    scf.if %cond3A_1 {
      %get3A_2 = arith.constant 0 : index
      %get3A_3 = arith.constant 0 : index
      %get3A_4 = vector.load %arg2[%get3A_2, %get3A_3] : memref<128x768xf32, #tpu.memory_space<vmem>>, vector<128x768xf32>
      %get3A_5 = arith.constant 0 : index
      %get3A_6 = arith.constant 0 : index
      %get3A_7 = arith.constant 0 : index
      %get3A_8 = vector.load %arg3[%get3A_5, %get3A_6, %get3A_7] : memref<1x768x768xf32, #tpu.memory_space<vmem>>, vector<1x768x768xf32>
      %get3A_9 = vector.shape_cast %get3A_8 : vector<1x768x768xf32> to vector<768x768xf32>
      %dot_general3A = arith.constant dense<0.000000e+00> : vector<128x768xf32>
      %dot_general3A_10 = tpu.matmul %get3A_4, %get3A_9, %dot_general3A {dimension_numbers = #tpu.dot_dimension_numbers<[1], [0], [0], [1], [0, 0, 1, 1], [], []>, transpose_lhs_hint = false} : vector<128x768xf32>, vector<768x768xf32>, vector<128x768xf32> -> vector<128x768xf32>
      %get3A_11 = arith.constant 0 : index
      %get3A_12 = arith.constant 0 : index
      %get3A_13 = arith.constant 0 : index
      %get3A_14 = vector.load %arg4[%get3A_11, %get3A_12, %get3A_13] : memref<1x1x768xf32, #tpu.memory_space<vmem>>, vector<1x1x768xf32>
      %get3A_15 = vector.shape_cast %get3A_14 : vector<1x1x768xf32> to vector<768xf32>
      %broadcast_in_dim3A = vector.shape_cast %get3A_15 : vector<768xf32> to vector<1x768xf32>
      %add3A = vector.broadcast %broadcast_in_dim3A : vector<1x768xf32> to vector<128x768xf32>
      %add3A_16 = arith.addf %dot_general3A_10, %add3A : vector<128x768xf32>
      %logistic3A = arith.negf %add3A_16 : vector<128x768xf32>
      %logistic3A_17 = math.exp %logistic3A : vector<128x768xf32>
      %logistic3A_18 = arith.constant 1.000000e+00 : f32
      %logistic3A_19 = vector.broadcast %logistic3A_18 : f32 to vector<128x768xf32>
      %logistic3A_20 = arith.addf %logistic3A_19, %logistic3A_17 : vector<128x768xf32>
      %logistic3A_21 = arith.divf %logistic3A_19, %logistic3A_20 : vector<128x768xf32>
      %mul3A = arith.mulf %add3A_16, %logistic3A_21 : vector<128x768xf32>
      %get3A_22 = arith.constant 0 : index
      %get3A_23 = arith.constant 0 : index
      %get3A_24 = arith.constant 0 : index
      %get3A_25 = vector.load %arg5[%get3A_22, %get3A_23, %get3A_24] : memref<1x768x768xf32, #tpu.memory_space<vmem>>, vector<1x768x768xf32>
      %get3A_26 = vector.shape_cast %get3A_25 : vector<1x768x768xf32> to vector<768x768xf32>
      %dot_general3A_27 = arith.constant dense<0.000000e+00> : vector<128x768xf32>
      %dot_general3A_28 = tpu.matmul %mul3A, %get3A_26, %dot_general3A_27 {dimension_numbers = #tpu.dot_dimension_numbers<[1], [0], [0], [1], [0, 0, 1, 1], [], []>, transpose_lhs_hint = false} : vector<128x768xf32>, vector<768x768xf32>, vector<128x768xf32> -> vector<128x768xf32>
      %get3A_29 = arith.constant 0 : index
      %get3A_30 = arith.constant 0 : index
      %get3A_31 = arith.constant 0 : index
      %get3A_32 = vector.load %arg6[%get3A_29, %get3A_30, %get3A_31] : memref<1x1x768xf32, #tpu.memory_space<vmem>>, vector<1x1x768xf32>
      %get3A_33 = vector.shape_cast %get3A_32 : vector<1x1x768xf32> to vector<768xf32>
      %broadcast_in_dim3A_34 = vector.shape_cast %get3A_33 : vector<768xf32> to vector<1x768xf32>
      %add3A_35 = vector.broadcast %broadcast_in_dim3A_34 : vector<1x768xf32> to vector<128x768xf32>
      %add3A_36 = arith.addf %dot_general3A_28, %add3A_35 : vector<128x768xf32>
      %get3A_37 = arith.constant 0 : index
      %get3A_38 = arith.constant 0 : index
      %get3A_39 = vector.load %arg7[%get3A_37, %get3A_38] : memref<128x1xf32, #tpu.memory_space<vmem>>, vector<128x1xf32>
      %mul3A_40 = vector.broadcast %get3A_39 : vector<128x1xf32> to vector<128x768xf32>
      %mul3A_41 = arith.mulf %add3A_36, %mul3A_40 : vector<128x768xf32>
      %swap3A = arith.constant 0 : index
      %swap3A_42 = arith.constant 0 : index
      %swap3A_43 = vector.load %arg8[%swap3A, %swap3A_42] : memref<128x768xf32, #tpu.memory_space<vmem>>, vector<128x768xf32>
      tpu.vector_store %arg8[%swap3A, %swap3A_42], %mul3A_41 {strides = array<i32>} : memref<128x768xf32, #tpu.memory_space<vmem>>, vector<128x768xf32>,
    } else {
    }
    return
  }
  func.func @transform_0(%arg0: i32, %arg1: memref<129xi32, #tpu.memory_space<smem>>) -> (i32, i32) {
    %c0_i32 = arith.constant 0 : i32
    %c0_i32_0 = arith.constant 0 : i32
    return %arg0, %c0_i32 : i32, i32
  }
  func.func @transform_1(%arg0: i32, %arg1: memref<129xi32, #tpu.memory_space<smem>>) -> (i32, i32, i32) {
    %get3A = arith.index_cast %arg0 : i32 to index
    %get3A_0 = memref.load %arg1[%get3A] : memref<129xi32, #tpu.memory_space<smem>>
    %c0_i32 = arith.constant 0 : i32
    %c0_i32_1 = arith.constant 0 : i32
    %c0_i32_2 = arith.constant 0 : i32
    return %get3A_0, %c0_i32, %c0_i32_1 : i32, i32, i32
  }
  func.func @transform_2(%arg0: i32, %arg1: memref<129xi32, #tpu.memory_space<smem>>) -> (i32, i32, i32) {
    %get3A = arith.index_cast %arg0 : i32 to index
    %get3A_0 = memref.load %arg1[%get3A] : memref<129xi32, #tpu.memory_space<smem>>
    %c0_i32 = arith.constant 0 : i32
    %c0_i32_1 = arith.constant 0 : i32
    %c0_i32_2 = arith.constant 0 : i32
    return %get3A_0, %c0_i32, %c0_i32_1 : i32, i32, i32
  }
  func.func @transform_3(%arg0: i32, %arg1: memref<129xi32, #tpu.memory_space<smem>>) -> (i32, i32, i32) {
    %get3A = arith.index_cast %arg0 : i32 to index
    %get3A_0 = memref.load %arg1[%get3A] : memref<129xi32, #tpu.memory_space<smem>>
    %c0_i32 = arith.constant 0 : i32
    %c0_i32_1 = arith.constant 0 : i32
    %c0_i32_2 = arith.constant 0 : i32
    return %get3A_0, %c0_i32, %c0_i32_1 : i32, i32, i32
  }
  func.func @transform_4(%arg0: i32, %arg1: memref<129xi32, #tpu.memory_space<smem>>) -> (i32, i32, i32) {
    %get3A = arith.index_cast %arg0 : i32 to index
    %get3A_0 = memref.load %arg1[%get3A] : memref<129xi32, #tpu.memory_space<smem>>
    %c0_i32 = arith.constant 0 : i32
    %c0_i32_1 = arith.constant 0 : i32
    %c0_i32_2 = arith.constant 0 : i32
    return %get3A_0, %c0_i32, %c0_i32_1 : i32, i32, i32
  }
  func.func @transform_5(%arg0: i32, %arg1: memref<129xi32, #tpu.memory_space<smem>>) -> (i32, i32) {
    %c0_i32 = arith.constant 0 : i32
    %c0_i32_0 = arith.constant 0 : i32
    return %arg0, %c0_i32 : i32, i32
  }
  func.func @transform_6(%arg0: i32, %arg1: memref<129xi32, #tpu.memory_space<smem>>) -> (i32, i32) {
    %c0_i32 = arith.constant 0 : i32
    %c0_i32_0 = arith.constant 0 : i32
    return %arg0, %c0_i32 : i32, i32
  }
}

</mosaic_0001>

<sc_bundles>
// kernel: kernel.6.cloned.1.call-start
scs
__scs_entry_jumppad:
0x0: {  	(pc) =	sbr.rel $0x88, $3  }
0x1: {  	(tag) =	ssettag $0x0;
	lr =	simm.s32 $0x1  }
0x2: {  	[smem:$0x3F9B] =	sst lr;
	_ =	strace $0xD0000000  }
0x3: {  	_ = 	snop  }
0x4: {  	_ = 	snop  }
0x5: {  	_ = 	snop  }
0x6: {  	_ = 	snop  }
0x7: {  	_ = 	snop  }
__scs_overlays_trampoline_lowered:
0x8: {  	[smem:$0x3FAA] =	sst s0  }
0x9: {  	[smem:$0x3FAB] =	sst s1  }
0xa: {  	[smem:$0x3FAC] =	sst s2  }
0xb: {  	[smem:$0x3FAD] =	sst s3  }
0xc: {  	[smem:$0x3FAE] =	sst s4  }
0xd: {  	[smem:$0x3FAF] =	sst s5  }
0xe: {  	[smem:$0x3FB0] =	sst s6  }
0xf: {  	[smem:$0x3FB1] =	sst s7  }
0x10: {  	[smem:$0x3FB2] =	sst s8  }
0x11: {  	[smem:$0x3FB3] =	sst s9;
	s0 =	simm.s32 @!p0 $0x0  }
0x12: {  	s1 =	sld [smem:$0x3F99];
	s0 =	simm.s32 @p0 $0x1  }
0x13: {  	[smem:$0x3FB4] =	sst s0;
	s0 =	simm.s32 @!p1 $0x0  }
0x14: {  	s2 =	sld [smem:$0x3F98];
	s0 =	simm.s32 @p1 $0x1  }
0x15: {  	[smem:$0x3FB5] =	sst s0;
	s0 =	simm.s32 @!p2 $0x0  }
0x16: {  	s3 =	sld [smem:$0x3FDB];
	s0 =	simm.s32 @p2 $0x1  }
0x17: {  	s4 =	simm.s32 $0x1BF5;
	[smem:$0x3FB7] =	sst s0  }
0x18: {  	s0 =	sld [smem:$0x3F9A];
	_ =	swait.ge [sflag:s4], $0x0  }
0x19: {  	s7 =	sld [smem:$0x3F9B]  }
0x1a: {  	s8 =	sadd.s32 $0xFFFFE003, lr  }
0x1b: {  	s9 =	sadd.s32 $0xFFFFFEF7, lr;
	s5 =	simm.s32 $0xFFFFFFFF;
	p2 =	slt.u32 s8, $0xFFFFF086  }
0x1c: {  	p1 =	slt.u32 s9, $0xF7A;
	s5 =	simm.s32 @!p2 $0x0  }
0x1d: {  	s5 =	simm.s32 @p1 $0x1;
	p0 =	seq.s32 s7, s2  }
0x1e: {  	s7 =	smul.u32 @!p0 $0xF7A, s2;
	p2 =	seq.s32 @!p0 s5, $0x0  }
0x1f: {  	s9 =	smul.u32 $0xF7A, s1;
	s8 =	simm.s32 @!p0 $0x1BF5;
	p2 =	por !p2, p0  }
0x20: {  	[sflag:s8] =	ssyncset.s32 @!p0 $0xFFFFF086;
	s6 =	sadd.s32 @!p0 s3, s7;
	s7 =	simm.s32 @!p0 $0x108  }
0x21: {  	s3 =	sadd.s32 s3, s9;
	s6 =	sadd.s32 @!p0 $0x88, s6;
	s7 =	simm.s32 @p2 $0x1082  }
0x22: {  	[simem:s7], [sflag:s8] =	dma.local @!p0 [hbm:s6], $0xF7A  }
0x23: {  	s9 =	sor.u32 $0xD0000000, s2;
	s6 =	simm.s32 $0x108;
	_ =	swait.ge @!p0 [sflag:s8], $0x0  }
0x24: {  	s3 =	sadd.s32 $0x88, s3;
	s6 =	simm.s32 @!p1 $0x1082;
	[sflag:s4] =	ssyncset.s32 $0xFFFFF086  }
0x25: {  	[simem:s6], [sflag:s4] =	dma.local [hbm:s3], $0xF7A  }
0x26: {  	[smem:$0x3F9B] =	sst s1;
	(tag) =	ssettag s2;
	_ =	strace s9  }
0x27: {  	s1 =	sld [smem:$0x3FAB]  }
0x28: {  	s2 =	sld [smem:$0x3FAC]  }
0x29: {  	s4 =	sld [smem:$0x3FAE]  }
0x2a: {  	p0 =	seq.s32 s5, $0x0;
	s5 =	sld [smem:$0x3FAF]  }
0x2b: {  	s6 =	sld [smem:$0x3FB0]  }
0x2c: {  	s7 =	sld [smem:$0x3FB1]  }
0x2d: {  	s3 =	simm.s32 $0x108;
	s8 =	sld [smem:$0x3FB2]  }
0x2e: {  	s3 =	simm.s32 @!p0 $0x1082;
	s9 =	sld [smem:$0x3FB3]  }
0x2f: {  	lr =	sadd.s32 s0, s3;
	s0 =	sld [smem:$0x3FAA]  }
0x30: {  	s3 =	sld [smem:$0x3FAD]  }
0x31: {  	[smem:$0x3FB6] =	sst s10  }
0x32: {  	s10 =	sld [smem:$0x3FB4];
	_ =	sdelay $0x3  }
0x33: {  	p0 =	seq.s32 s10, $0x1;
	s10 =	sld [smem:$0x3FB6];
	_ =	sdelay $0x3  }
0x34: {  	[smem:$0x3FB6] =	sst s10  }
0x35: {  	s10 =	sld [smem:$0x3FB5];
	_ =	sdelay $0x3  }
0x36: {  	p1 =	seq.s32 s10, $0x1;
	s10 =	sld [smem:$0x3FB6];
	_ =	sdelay $0x3  }
0x37: {  	[smem:$0x3FB6] =	sst s10  }
0x38: {  	s10 =	sld [smem:$0x3FB7]  }
0x39: {  	_ = 	snop;
	(pc) =	sbr.ind lr, $3  }
0x3a: {  	_ = 	snop  }
0x3b: {  	_ = 	snop  }
0x3c: {  	p2 =	seq.s32 s10, $0x1;
	s10 =	sld [smem:$0x3FB6]  }
0x3d: {  	_ =	shalt  }
0x3e: {  	_ =	shalt  }
0x3f: {  	_ =	shalt  }
0x40: {  	_ =	shalt  }
0x41: {  	_ =	shalt  }
0x42: {  	_ =	shalt  }
0x43: {  	_ =	shalt  }
0x44: {  	_ =	shalt  }
0x45: {  	_ =	shalt  }
0x46: {  	_ =	shalt  }
0x47: {  	_ =	shalt  }
0x48: {  	_ =	shalt  }
0x49: {  	_ =	shalt  }
0x4a: {  	_ =	shalt  }
0x4b: {  	_ =	shalt  }
0x4c: {  	_ =	shalt  }
0x4d: {  	_ =	shalt  }
0x4e: {  	_ =	shalt  }
0x4f: {  	_ =	shalt  }
0x50: {  	_ =	shalt  }
0x51: {  	_ =	shalt  }
0x52: {  	_ =	shalt  }
0x53: {  	_ =	shalt  }
0x54: {  	_ =	shalt  }
0x55: {  	_ =	shalt  }
0x56: {  	_ =	shalt  }
0x57: {  	_ =	shalt  }
0x58: {  	_ =	shalt  }
0x59: {  	_ =	shalt  }
0x5a: {  	_ =	shalt  }
0x5b: {  	_ =	shalt  }
0x5c: {  	_ =	shalt  }
0x5d: {  	_ =	shalt  }
0x5e: {  	_ =	shalt  }
0x5f: {  	_ =	shalt  }
0x60: {  	_ =	shalt  }
0x61: {  	_ =	shalt  }
0x62: {  	_ =	shalt  }
0x63: {  	_ =	shalt  }
0x64: {  	_ =	shalt  }
0x65: {  	_ =	shalt  }
0x66: {  	_ =	shalt  }
0x67: {  	_ =	shalt  }
0x68: {  	_ =	shalt  }
0x69: {  	_ =	shalt  }
0x6a: {  	_ =	shalt  }
0x6b: {  	_ =	shalt  }
0x6c: {  	_ =	shalt  }
0x6d: {  	_ =	shalt  }
0x6e: {  	_ =	shalt  }
0x6f: {  	_ =	shalt  }
0x70: {  	_ =	shalt  }
0x71: {  	_ =	shalt  }
0x72: {  	_ =	shalt  }
0x73: {  	_ =	shalt  }
0x74: {  	_ =	shalt  }
0x75: {  	_ =	shalt  }
0x76: {  	_ =	shalt  }
0x77: {  	_ =	shalt  }
0x78: {  	_ =	shalt  }
0x79: {  	_ =	shalt  }
0x7a: {  	_ =	shalt  }
0x7b: {  	_ =	shalt  }
0x7c: {  	_ =	shalt  }
0x7d: {  	_ =	shalt  }
0x7e: {  	_ =	shalt  }
0x7f: {  	_ =	shalt  }
0x80: {  	_ =	shalt  }
0x81: {  	_ =	shalt  }
0x82: {  	_ =	shalt  }
0x83: {  	_ =	shalt  }
0x84: {  	_ =	shalt  }
0x85: {  	_ =	shalt  }
0x86: {  	_ =	shalt  }
0x87: {  	_ =	shalt  }
.Lfunc_end0:
.L_simem_size_0:
called_computation_lowered:
.L_overlay_start_0:
0x88: {  	s2 =	sld [smem:$0x3FD9]  }
0x89: {  	s3 =	sld [smem:$0x3FFE];
	_ =	sdelay $0x1  }
0x8a: {  	s1 =	srdreg.scid  }
0x8b: {  	s0 =	sand.u32 $0x1, s1  }
0x8c: {  	s17 =	sshll.u32 s0, $0xA;
	s2 =	sadd.s32 s3, s2  }
0x8d: {  	s2 =	sadd.s32 s2, s17  }
0x8e: {  	[smem:$0x3FC2] =	sst s2  }
0x8f: {  	_ = 	snop  }
0x90: {  	s2 =	sld [smem:$0x3FC9]  }
0x91: {  	s18 =	sld [smem:$0x3FD0];
	(tm) =	ssettm $0x1  }
0x92: {  	s4 =	sld [smem:$0x3FFB];
	_ =	sdelay $0x3  }
0x93: {  	_ =	strace s4  }
0x94: {  	s4 =	sld [smem:$0x3FFC];
	_ =	sdelay $0x3  }
0x95: {  	_ =	strace s4  }
0x96: {  	s4 =	sld [smem:$0x3FFD];
	_ =	sdelay $0x3  }
0x97: {  	_ =	strace s4  }
0x98: {  	_ =	strace $0x8FFFFFFF  }
0x99: {  	s19 =	sld [smem:$0x3FDB];
	_ =	sdelay $0x1  }
0x9a: {  	s5 =	simm.s32 $_scs_section_size  }
0x9b: {  	s6 =	simm.s32 $_size__tile_overlayer_lowered;
	s7 =	simm.s32 $_tile_overlayer_lowered  }
0x9c: {  	s22 =	simm.s32 $0x1BFF;
	s21 =	sshll.u32 s7, $0x1;
	s4 =	sadd.s32 s5, s19  }
0x9d: {  	s8 =	simm.s32 $0x0;
	s20 =	sshll.u32 s6, $0x1;
	s6 =	sadd.s32 s21, s4  }
0x9e: {  	[timem:s8], [sflag:s22] =	dma.local [hbm:s6], s20  }
0x9f: {  	_ =	swait.ge [sflag:s22], s20  }
0xa0: {  	s5 =	ssub.s32 $0x0, s20;
	[sflag:s22] =	ssyncset.done $0x0  }
0xa1: {  	[sflag:s22] =	ssyncadd.s32 s5;
	_ =	sdelay $0x1  }
0xa2: {  	s23 =	simm.s32 $0x1B8B  }
0xa3: {  	_ =	swait.ge [sflag:s23], $0x1  }
0xa4: {  	[sflag:s23] =	ssyncset.done $0x0  }
0xa5: {  	s25 =	simm.s32 $0x1B8E;
	s24 =	sld [smem:$0x3FFE];
	[sflag:s23] =	ssyncadd.s32 $0xFFFFFFFF  }
0xa6: {  	s26 =	simm.s32 $execute0_lowered;
	[smem:$0x3FD2] =	sst s25  }
0xa7: {  	s6 =	sshll.u32 s26, $0x1;
	_ =	strace $0x80000046;
	[dreg:$0x1] =	wrdreg $0xFFFFFFFF  }
0xa8: {  	s28 =	simm.s32 $_size_execute0_lowered;
	s4 =	sadd.s32 s4, s6;
	[dreg:$0x0] =	wrdreg $0x0  }
0xa9: {  	s6 =	sshll.u32 s28, $0x1;
	[dreg:$0x2] =	wrdreg s4  }
0xaa: {  	[dreg:$0x3] =	wrdreg s6  }
0xab: {  	[dreg:$0x4] =	wrdreg $0xC0  }
0xac: {  	_ =	task [dreg:s8], $0x5FFFF  }
0xad: {  	[dreg:$0x1] =	wrdreg $0xFFFFFFFF  }
0xae: {  	[dreg:$0x0] =	wrdreg $0x60  }
0xaf: {  	[dreg:$0x2] =	wrdreg s2  }
0xb0: {  	[dreg:$0x3] =	wrdreg s24  }
0xb1: {  	[dreg:$0x4] =	wrdreg s18  }
0xb2: {  	[dreg:$0x5] =	wrdreg $0x9  }
0xb3: {  	_ =	task.clear_ibuf [dreg:s8], $0x6FFFF;
	_ =	strace $0x90000046  }
0xb4: {  	s29 =	simm.s32 $0x9;
	_ =	strace $0x80000048  }
0xb5: {  	_ =	swait.ge [sflag:s29], $0x1  }
0xb6: {  	[sflag:s29] =	ssyncadd.s32 $0xFFFFFFFF  }
0xb7: {  	_ =	strace $0x90000048  }
0xb8: {  	_ =	sfence  }
0xb9: {  	s30 =	sld [smem:$0x0];
	_ =	sdelay $0x2  }
0xba: {  	s31 =	sshll.u32 s1, $0xD;
	s1 =	sshrl.u32 s1, $0x2  }
0xbb: {  	s3 =	sand.u32 $0x4000, s31;
	s1 =	sadd.s32 s1, s30  }
0xbc: {  	s0 =	sor.u32 s3, s0;
	s1 =	sshll.u32 s1, $0x11  }
0xbd: {  	s0 =	sor.u32 s1, s0  }
0xbe: {  	s0 =	sadd.s32 $0x8F2B, s0  }
0xbf: {  	[sflag:s0] =	ssyncadd.remote.s32 $0x1  }
0xc0: {  	_ =	sfence.sel $0xFFFF  }
0xc1: {  	[dreg:$0x0] =	wrdreg $0xFFFFFFFF;
	(pc) =	sbr.abs _section_cstart, $3  }
0xc2: {  	[dreg:$0x1] =	wrdreg $0xFFFFFFFF  }
0xc3: {  	_ =	task.clear_ibuf [dreg:s8], $0x2FFFF;
	_ =	strace $0x9FFFFFFF  }
0xc4: {  	(tm) =	ssettm $0x7FFFFFFF  }
0xc5: {  	_ =	shalt  }
tec
execute0_lowered:
.L_overlay_start_1:
0x0: {  	(tag) =	ssettag $0x1  }
0x1: {  	s0 =	rddreg [dreg:$0x0]  }
0x2: {  	s1 =	rddreg [dreg:$0x1]  }
0x3: {  	s2 =	srdreg.scid;
	s4 =	stileid.u32  }
0x4: {  	s3 =	simm.s32 $0x0;
	s10 =	simm.s32 $0x5;
	s25 =	simm.s32 $0x18080  }
0x5: {  	s26 =	simm.s32 $0x18180;
	s19 =	simm.s32 $0x2000;
	s20 =	simm.s32 $0x2800  }
0x6: {  	s21 =	simm.s32 $0x3000;
	s22 =	simm.s32 $0x3800;
	s23 =	simm.s32 $0x4000  }
0x7: {  	s24 =	simm.s32 $0x4800;
	s28 =	simm.s32 $0x6000;
	s29 =	simm.s32 $0x6800  }
0x8: {  	s30 =	simm.s32 $0x7000;
	s31 =	simm.s32 $0x7800;
	s9 =	simm.s32 $0x9800  }
0x9: {  	s11 =	simm.s32 $0xA000;
	s12 =	simm.s32 $0xA800;
	s13 =	simm.s32 $0xB000  }
0xa: {  	s17 =	simm.s32 $0xC000;
	s2 =	sand.u32 $0x1, s2;
	s4 =	sshll.u32 s4, $0x1  }
0xb: {  	s18 =	simm.s32 $0xC800;
	[smem:$0x7FF] =	sst s3;
	s4 =	sor.u32 s2, s4  }
0xc: {  	_ =	strace $0x80000047;
	s2 =	ssub.s32 $0x2, s2;
	[dreg:$0x6] =	wrdreg s25  }
0xd: {  	[dreg:$0x7] =	wrdreg s26;
	s25 =	simm.s32 $0x5000;
	s26 =	simm.s32 $0x5800  }
0xe: {  	s5 =	sshll.u32 s4, $0x5;
	s4 =	smul.u32 $0x3000, s4;
	s6 =	sshrl.u32 s2, $0x1  }
0xf: {  	s7 =	sadd.s32 s1, s5;
	s5 =	sadd.s32 $0x8200, s1;
	s2 =	ssub.s32 s2, s6  }
0x10: {  	v2 =	vlaneseq.u32;
	s6 =	sadd.s32 $0x8300, s1;
	[dreg:$0x8] =	wrdreg s7;
	s7 =	sadd.s32 $0x7E00, s7  }
0x11: {  	vm0 =	vmmov $0xffff;
	v1 =	vshrl.u32 v2, $0x3;
	s0 =	sadd.s32 s0, s4;
	s8 =	smax.u32 s2, $0x1;
	[dreg:$0x4] =	wrdreg s7  }
0x12: {  	v0 =	vand.u32 $0x7, v2;
	v2 =	vor.u32 $0x8, v2;
	v1 =	vmul.u32 $0x8, v1;
	s4 =	simm.s32 $0xB800;
	[dreg:$0x5] =	wrdreg s0;
	s7 =	sadd.s32 $0x8400, s1  }
.LBB2_1:
0x13: {  	s14 =	rddreg [dreg:$0x8];
	s0 =	simm.s32 $0x18000  }
0x14: {  	[tilespmem:s0], [sflag:$0x5] =	stream.linear.gather [hbm4b:s14+s3], $0x100, $0x38;
	[tilespmem:$0x18200] =	vst v63  }
0x15: {  	_ =	swait.ge [sflag:s10], $0x100  }
0x16: {  	[sflag:s10] =	ssyncset.done $0x0  }
0x17: {  	s16 =	simm.s32 $0x18100;
	s15 =	rddreg [dreg:$0x4];
	[sflag:s10] =	ssyncadd.s32 $0xFFFFFF00  }
0x18: {  	[tilespmem:s16], [sflag:$0x5] =	stream.linear.gather [hbm4b:s15+s3], $0x100, $0x38;
	[tilespmem:$0x18200] =	vst v63  }
0x19: {  	_ =	swait.ge [sflag:s10], $0x100  }
0x1a: {  	[sflag:s10] =	ssyncset.done $0x0  }
0x1b: {  	s1 =	rddreg [dreg:$0x5];
	[sflag:s10] =	ssyncadd.s32 $0xFFFFFF00  }
0x1c: {  	[tilespmem:s3], [sflag:$0x5] =	stream.linear.gather [hbm4b:s1+s3], $0x18000, $0x38;
	[tilespmem:$0x18200] =	vst v63  }
0x1d: {  	_ =	swait.ge [sflag:s10], $0x18000  }
0x1e: {  	[sflag:s10] =	ssyncset.done $0x0  }
0x1f: {  	[sflag:s10] =	ssyncadd.s32 $0xFFFE8000  }
0x20: {  	v3 =	vld [tilespmem:$0x18000];
	_ =	sdelay $0x4  }
0x21: {  	v4 =	vshrl.u32 v3, $0x3  }
0x22: {  	v4 =	vmul.u32 $0x30, v4  }
0x23: {  	v3 =	vand.u32 $0x7, v3  }
0x24: {  	v3 =	vor.u32 v3, v4  }
0x25: {  	v4 =	vperm.xlane v3, v0;
	_ =	sdelay $0x1  }
0x26: {  	v4 =	vadd.s32 v1, v4;
	_ =	sdelay $0x3  }
0x27: {  	v3 =	vperm.xlane v3, v2  }
0x28: {  	[hbm4b:s5+s3] =	stream.indirect_vreg.scatter [tilespmem:s3], [sflag:$0x1], $0x80, v4, vm0, $0xb8;
	[tilespmem:$0x18200] =	vst v63  }
0x29: {  	s14 =	simm.s32 $0x800;
	v3 =	vadd.s32 v1, v3  }
0x2a: {  	[hbm4b:s6+s3] =	stream.indirect_vreg.scatter [tilespmem:s14], [sflag:$0x1], $0x80, v4, vm0, $0xb8;
	[tilespmem:$0x18200] =	vst v63  }
0x2b: {  	s15 =	simm.s32 $0x1000  }
0x2c: {  	[hbm4b:s7+s3] =	stream.indirect_vreg.scatter [tilespmem:s15], [sflag:$0x1], $0x80, v4, vm0, $0xb8;
	[tilespmem:$0x18200] =	vst v63  }
0x2d: {  	s16 =	simm.s32 $0x1800  }
0x2e: {  	[hbm4b:s5+s3] =	stream.indirect_vreg.scatter [tilespmem:s16], [sflag:$0x1], $0x80, v3, vm0, $0xb8;
	[tilespmem:$0x18200] =	vst v63  }
0x2f: {  	_ = 	snop  }
0x30: {  	[hbm4b:s6+s3] =	stream.indirect_vreg.scatter [tilespmem:s19], [sflag:$0x1], $0x80, v3, vm0, $0xb8;
	[tilespmem:$0x18200] =	vst v63  }
0x31: {  	_ = 	snop  }
0x32: {  	[hbm4b:s7+s3] =	stream.indirect_vreg.scatter [tilespmem:s20], [sflag:$0x1], $0x80, v3, vm0, $0xb8;
	[tilespmem:$0x18200] =	vst v63  }
0x33: {  	v3 =	vld [tilespmem:$0x18010];
	_ =	sdelay $0x4  }
0x34: {  	v49 =	vshrl.u32 v3, $0x3  }
0x35: {  	v4 =	vmul.u32 $0x30, v49  }
0x36: {  	v3 =	vand.u32 $0x7, v3  }
0x37: {  	v3 =	vor.u32 v3, v4  }
0x38: {  	v4 =	vperm.xlane v3, v0;
	_ =	sdelay $0x1  }
0x39: {  	v4 =	vadd.s32 v1, v4;
	_ =	sdelay $0x3  }
0x3a: {  	v3 =	vperm.xlane v3, v2  }
0x3b: {  	[hbm4b:s5+s3] =	stream.indirect_vreg.scatter [tilespmem:s21], [sflag:$0x1], $0x80, v4, vm0, $0xb8;
	[tilespmem:$0x18200] =	vst v63  }
0x3c: {  	v3 =	vadd.s32 v1, v3  }
0x3d: {  	[hbm4b:s6+s3] =	stream.indirect_vreg.scatter [tilespmem:s22], [sflag:$0x1], $0x80, v4, vm0, $0xb8;
	[tilespmem:$0x18200] =	vst v63  }
0x3e: {  	_ = 	snop  }
0x3f: {  	[hbm4b:s7+s3] =	stream.indirect_vreg.scatter [tilespmem:s23], [sflag:$0x1], $0x80, v4, vm0, $0xb8;
	[tilespmem:$0x18200] =	vst v63  }
0x40: {  	_ = 	snop  }
0x41: {  	[hbm4b:s5+s3] =	stream.indirect_vreg.scatter [tilespmem:s24], [sflag:$0x1], $0x80, v3, vm0, $0xb8;
	[tilespmem:$0x18200] =	vst v63  }
0x42: {  	_ = 	snop  }
0x43: {  	[hbm4b:s6+s3] =	stream.indirect_vreg.scatter [tilespmem:s25], [sflag:$0x1], $0x80, v3, vm0, $0xb8;
	[tilespmem:$0x18200] =	vst v63  }
0x44: {  	_ = 	snop  }
0x45: {  	[hbm4b:s7+s3] =	stream.indirect_vreg.scatter [tilespmem:s26], [sflag:$0x1], $0x80, v3, vm0, $0xb8;
	[tilespmem:$0x18200] =	vst v63  }
0x46: {  	v3 =	vld [tilespmem:$0x18020];
	_ =	sdelay $0x4  }
0x47: {  	v50 =	vshrl.u32 v3, $0x3  }
0x48: {  	v4 =	vmul.u32 $0x30, v50  }
0x49: {  	v3 =	vand.u32 $0x7, v3  }
0x4a: {  	v3 =	vor.u32 v3, v4  }
0x4b: {  	v4 =	vperm.xlane v3, v0;
	_ =	sdelay $0x1  }
0x4c: {  	v4 =	vadd.s32 v1, v4;
	_ =	sdelay $0x3  }
0x4d: {  	v3 =	vperm.xlane v3, v2  }
0x4e: {  	[hbm4b:s5+s3] =	stream.indirect_vreg.scatter [tilespmem:s28], [sflag:$0x1], $0x80, v4, vm0, $0xb8;
	[tilespmem:$0x18200] =	vst v63  }
0x4f: {  	v3 =	vadd.s32 v1, v3  }
0x50: {  	[hbm4b:s6+s3] =	stream.indirect_vreg.scatter [tilespmem:s29], [sflag:$0x1], $0x80, v4, vm0, $0xb8;
	[tilespmem:$0x18200] =	vst v63  }
0x51: {  	_ = 	snop  }
0x52: {  	[hbm4b:s7+s3] =	stream.indirect_vreg.scatter [tilespmem:s30], [sflag:$0x1], $0x80, v4, vm0, $0xb8;
	[tilespmem:$0x18200] =	vst v63  }
0x53: {  	_ = 	snop  }
0x54: {  	[hbm4b:s5+s3] =	stream.indirect_vreg.scatter [tilespmem:s31], [sflag:$0x1], $0x80, v3, vm0, $0xb8;
	[tilespmem:$0x18200] =	vst v63  }
0x55: {  	s2 =	simm.s32 $0x8000  }
0x56: {  	[hbm4b:s6+s3] =	stream.indirect_vreg.scatter [tilespmem:s2], [sflag:$0x1], $0x80, v3, vm0, $0xb8;
	[tilespmem:$0x18200] =	vst v63  }
0x57: {  	s1 =	simm.s32 $0x8800  }
0x58: {  	[hbm4b:s7+s3] =	stream.indirect_vreg.scatter [tilespmem:s1], [sflag:$0x1], $0x80, v3, vm0, $0xb8;
	[tilespmem:$0x18200] =	vst v63  }
0x59: {  	v3 =	vld [tilespmem:$0x18030];
	_ =	sdelay $0x4  }
0x5a: {  	v51 =	vshrl.u32 v3, $0x3  }
0x5b: {  	v4 =	vmul.u32 $0x30, v51  }
0x5c: {  	v3 =	vand.u32 $0x7, v3  }
0x5d: {  	v3 =	vor.u32 v3, v4  }
0x5e: {  	v4 =	vperm.xlane v3, v0;
	_ =	sdelay $0x1  }
0x5f: {  	v4 =	vadd.s32 v1, v4;
	_ =	sdelay $0x3  }
0x60: {  	s2 =	simm.s32 $0x9000;
	v3 =	vperm.xlane v3, v2  }
0x61: {  	[hbm4b:s5+s3] =	stream.indirect_vreg.scatter [tilespmem:s2], [sflag:$0x1], $0x80, v4, vm0, $0xb8;
	[tilespmem:$0x18200] =	vst v63  }
0x62: {  	v3 =	vadd.s32 v1, v3  }
0x63: {  	[hbm4b:s6+s3] =	stream.indirect_vreg.scatter [tilespmem:s9], [sflag:$0x1], $0x80, v4, vm0, $0xb8;
	[tilespmem:$0x18200] =	vst v63  }
0x64: {  	_ = 	snop  }
0x65: {  	[hbm4b:s7+s3] =	stream.indirect_vreg.scatter [tilespmem:s11], [sflag:$0x1], $0x80, v4, vm0, $0xb8;
	[tilespmem:$0x18200] =	vst v63  }
0x66: {  	_ = 	snop  }
0x67: {  	[hbm4b:s5+s3] =	stream.indirect_vreg.scatter [tilespmem:s12], [sflag:$0x1], $0x80, v3, vm0, $0xb8;
	[tilespmem:$0x18200] =	vst v63  }
0x68: {  	_ = 	snop  }
0x69: {  	[hbm4b:s6+s3] =	stream.indirect_vreg.scatter [tilespmem:s13], [sflag:$0x1], $0x80, v3, vm0, $0xb8;
	[tilespmem:$0x18200] =	vst v63  }
0x6a: {  	_ = 	snop  }
0x6b: {  	[hbm4b:s7+s3] =	stream.indirect_vreg.scatter [tilespmem:s4], [sflag:$0x1], $0x80, v3, vm0, $0xb8;
	[tilespmem:$0x18200] =	vst v63  }
0x6c: {  	v3 =	vld [tilespmem:$0x18040];
	_ =	sdelay $0x4  }
0x6d: {  	v52 =	vshrl.u32 v3, $0x3  }
0x6e: {  	v4 =	vmul.u32 $0x30, v52  }
0x6f: {  	v3 =	vand.u32 $0x7, v3  }
0x70: {  	v3 =	vor.u32 v3, v4  }
0x71: {  	v4 =	vperm.xlane v3, v0;
	_ =	sdelay $0x1  }
0x72: {  	v4 =	vadd.s32 v1, v4;
	_ =	sdelay $0x3  }
0x73: {  	v3 =	vperm.xlane v3, v2  }
0x74: {  	[hbm4b:s5+s3] =	stream.indirect_vreg.scatter [tilespmem:s17], [sflag:$0x1], $0x80, v4, vm0, $0xb8;
	[tilespmem:$0x18200] =	vst v63  }
0x75: {  	v3 =	vadd.s32 v1, v3  }
0x76: {  	[hbm4b:s6+s3] =	stream.indirect_vreg.scatter [tilespmem:s18], [sflag:$0x1], $0x80, v4, vm0, $0xb8;
	[tilespmem:$0x18200] =	vst v63  }
0x77: {  	s0 =	simm.s32 $0xD000  }
0x78: {  	[hbm4b:s7+s3] =	stream.indirect_vreg.scatter [tilespmem:s0], [sflag:$0x1], $0x80, v4, vm0, $0xb8;
	[tilespmem:$0x18200] =	vst v63  }
0x79: {  	s0 =	simm.s32 $0xD800  }
0x7a: {  	[hbm4b:s5+s3] =	stream.indirect_vreg.scatter [tilespmem:s0], [sflag:$0x1], $0x80, v3, vm0, $0xb8;
	[tilespmem:$0x18200] =	vst v63  }
0x7b: {  	s0 =	simm.s32 $0xE000  }
0x7c: {  	[hbm4b:s6+s3] =	stream.indirect_vreg.scatter [tilespmem:s0], [sflag:$0x1], $0x80, v3, vm0, $0xb8;
	[tilespmem:$0x18200] =	vst v63  }
0x7d: {  	s0 =	simm.s32 $0xE800  }
0x7e: {  	[hbm4b:s7+s3] =	stream.indirect_vreg.scatter [tilespmem:s0], [sflag:$0x1], $0x80, v3, vm0, $0xb8;
	[tilespmem:$0x18200] =	vst v63  }
0x7f: {  	v3 =	vld [tilespmem:$0x18050];
	_ =	sdelay $0x4  }
0x80: {  	v53 =	vshrl.u32 v3, $0x3  }
0x81: {  	v4 =	vmul.u32 $0x30, v53  }
0x82: {  	v3 =	vand.u32 $0x7, v3  }
0x83: {  	v3 =	vor.u32 v3, v4  }
0x84: {  	v4 =	vperm.xlane v3, v0;
	_ =	sdelay $0x1  }
0x85: {  	v4 =	vadd.s32 v1, v4;
	_ =	sdelay $0x3  }
0x86: {  	s0 =	simm.s32 $0xF000;
	v3 =	vperm.xlane v3, v2  }
0x87: {  	[hbm4b:s5+s3] =	stream.indirect_vreg.scatter [tilespmem:s0], [sflag:$0x1], $0x80, v4, vm0, $0xb8;
	[tilespmem:$0x18200] =	vst v63  }
0x88: {  	v3 =	vadd.s32 v1, v3;
	s0 =	simm.s32 $0xF800  }
0x89: {  	[hbm4b:s6+s3] =	stream.indirect_vreg.scatter [tilespmem:s0], [sflag:$0x1], $0x80, v4, vm0, $0xb8;
	[tilespmem:$0x18200] =	vst v63  }
0x8a: {  	s0 =	simm.s32 $0x10000  }
0x8b: {  	[hbm4b:s7+s3] =	stream.indirect_vreg.scatter [tilespmem:s0], [sflag:$0x1], $0x80, v4, vm0, $0xb8;
	[tilespmem:$0x18200] =	vst v63  }
0x8c: {  	s0 =	simm.s32 $0x10800  }
0x8d: {  	[hbm4b:s5+s3] =	stream.indirect_vreg.scatter [tilespmem:s0], [sflag:$0x1], $0x80, v3, vm0, $0xb8;
	[tilespmem:$0x18200] =	vst v63  }
0x8e: {  	s0 =	simm.s32 $0x11000  }
0x8f: {  	[hbm4b:s6+s3] =	stream.indirect_vreg.scatter [tilespmem:s0], [sflag:$0x1], $0x80, v3, vm0, $0xb8;
	[tilespmem:$0x18200] =	vst v63  }
0x90: {  	s0 =	simm.s32 $0x11800  }
0x91: {  	[hbm4b:s7+s3] =	stream.indirect_vreg.scatter [tilespmem:s0], [sflag:$0x1], $0x80, v3, vm0, $0xb8;
	[tilespmem:$0x18200] =	vst v63  }
0x92: {  	v3 =	vld [tilespmem:$0x18060];
	_ =	sdelay $0x4  }
0x93: {  	v54 =	vshrl.u32 v3, $0x3  }
0x94: {  	v4 =	vmul.u32 $0x30, v54  }
0x95: {  	v3 =	vand.u32 $0x7, v3  }
0x96: {  	v3 =	vor.u32 v3, v4  }
0x97: {  	v4 =	vperm.xlane v3, v0;
	_ =	sdelay $0x1  }
0x98: {  	v4 =	vadd.s32 v1, v4;
	_ =	sdelay $0x3  }
0x99: {  	s0 =	simm.s32 $0x12000;
	v3 =	vperm.xlane v3, v2  }
0x9a: {  	[hbm4b:s5+s3] =	stream.indirect_vreg.scatter [tilespmem:s0], [sflag:$0x1], $0x80, v4, vm0, $0xb8;
	[tilespmem:$0x18200] =	vst v63  }
0x9b: {  	v3 =	vadd.s32 v1, v3;
	s0 =	simm.s32 $0x12800  }
0x9c: {  	[hbm4b:s6+s3] =	stream.indirect_vreg.scatter [tilespmem:s0], [sflag:$0x1], $0x80, v4, vm0, $0xb8;
	[tilespmem:$0x18200] =	vst v63  }
0x9d: {  	s0 =	simm.s32 $0x13000  }
0x9e: {  	[hbm4b:s7+s3] =	stream.indirect_vreg.scatter [tilespmem:s0], [sflag:$0x1], $0x80, v4, vm0, $0xb8;
	[tilespmem:$0x18200] =	vst v63  }
0x9f: {  	s0 =	simm.s32 $0x13800  }
0xa0: {  	[hbm4b:s5+s3] =	stream.indirect_vreg.scatter [tilespmem:s0], [sflag:$0x1], $0x80, v3, vm0, $0xb8;
	[tilespmem:$0x18200] =	vst v63  }
0xa1: {  	s0 =	simm.s32 $0x14000  }
0xa2: {  	[hbm4b:s6+s3] =	stream.indirect_vreg.scatter [tilespmem:s0], [sflag:$0x1], $0x80, v3, vm0, $0xb8;
	[tilespmem:$0x18200] =	vst v63  }
0xa3: {  	s0 =	simm.s32 $0x14800  }
0xa4: {  	[hbm4b:s7+s3] =	stream.indirect_vreg.scatter [tilespmem:s0], [sflag:$0x1], $0x80, v3, vm0, $0xb8;
	[tilespmem:$0x18200] =	vst v63  }
0xa5: {  	v3 =	vld [tilespmem:$0x18070];
	_ =	sdelay $0x4  }
0xa6: {  	v55 =	vshrl.u32 v3, $0x3  }
0xa7: {  	v4 =	vmul.u32 $0x30, v55  }
0xa8: {  	v3 =	vand.u32 $0x7, v3  }
0xa9: {  	v3 =	vor.u32 v3, v4  }
0xaa: {  	v4 =	vperm.xlane v3, v0;
	_ =	sdelay $0x1  }
0xab: {  	v4 =	vadd.s32 v1, v4;
	_ =	sdelay $0x3  }
0xac: {  	s0 =	simm.s32 $0x15000;
	v3 =	vperm.xlane v3, v2  }
0xad: {  	[hbm4b:s5+s3] =	stream.indirect_vreg.scatter [tilespmem:s0], [sflag:$0x1], $0x80, v4, vm0, $0xb8;
	[tilespmem:$0x18200] =	vst v63  }
0xae: {  	v3 =	vadd.s32 v1, v3;
	s0 =	simm.s32 $0x15800  }
0xaf: {  	[hbm4b:s6+s3] =	stream.indirect_vreg.scatter [tilespmem:s0], [sflag:$0x1], $0x80, v4, vm0, $0xb8;
	[tilespmem:$0x18200] =	vst v63  }
0xb0: {  	s0 =	simm.s32 $0x16000  }
0xb1: {  	[hbm4b:s7+s3] =	stream.indirect_vreg.scatter [tilespmem:s0], [sflag:$0x1], $0x80, v4, vm0, $0xb8;
	[tilespmem:$0x18200] =	vst v63  }
0xb2: {  	s0 =	simm.s32 $0x16800  }
0xb3: {  	[hbm4b:s5+s3] =	stream.indirect_vreg.scatter [tilespmem:s0], [sflag:$0x1], $0x80, v3, vm0, $0xb8;
	[tilespmem:$0x18200] =	vst v63  }
0xb4: {  	s0 =	simm.s32 $0x17000  }
0xb5: {  	[hbm4b:s6+s3] =	stream.indirect_vreg.scatter [tilespmem:s0], [sflag:$0x1], $0x80, v3, vm0, $0xb8;
	[tilespmem:$0x18200] =	vst v63  }
0xb6: {  	s0 =	simm.s32 $0x17800  }
0xb7: {  	[hbm4b:s7+s3] =	stream.indirect_vreg.scatter [tilespmem:s0], [sflag:$0x1], $0x80, v3, vm0, $0xb8;
	[tilespmem:$0x18200] =	vst v63  }
0xb8: {  	v3 =	vld [tilespmem:$0x18080];
	_ =	sdelay $0x4  }
0xb9: {  	v56 =	vshrl.u32 v3, $0x3  }
0xba: {  	v4 =	vmul.u32 $0x30, v56  }
0xbb: {  	v3 =	vand.u32 $0x7, v3  }
0xbc: {  	v3 =	vor.u32 v3, v4  }
0xbd: {  	v4 =	vperm.xlane v3, v0;
	_ =	sdelay $0x1  }
0xbe: {  	v4 =	vadd.s32 v1, v4;
	_ =	sdelay $0x3  }
0xbf: {  	v3 =	vperm.xlane v3, v2  }
0xc0: {  	[hbm4b:s5+s3] =	stream.indirect_vreg.scatter [tilespmem:s3], [sflag:$0x2], $0x80, v4, vm0, $0xb8;
	[tilespmem:$0x18200] =	vst v63  }
0xc1: {  	v3 =	vadd.s32 v1, v3  }
0xc2: {  	[hbm4b:s6+s3] =	stream.indirect_vreg.scatter [tilespmem:s14], [sflag:$0x2], $0x80, v4, vm0, $0xb8;
	[tilespmem:$0x18200] =	vst v63  }
0xc3: {  	_ = 	snop  }
0xc4: {  	[hbm4b:s7+s3] =	stream.indirect_vreg.scatter [tilespmem:s15], [sflag:$0x2], $0x80, v4, vm0, $0xb8;
	[tilespmem:$0x18200] =	vst v63  }
0xc5: {  	_ = 	snop  }
0xc6: {  	[hbm4b:s5+s3] =	stream.indirect_vreg.scatter [tilespmem:s16], [sflag:$0x2], $0x80, v3, vm0, $0xb8;
	[tilespmem:$0x18200] =	vst v63  }
0xc7: {  	_ = 	snop  }
0xc8: {  	[hbm4b:s6+s3] =	stream.indirect_vreg.scatter [tilespmem:s19], [sflag:$0x2], $0x80, v3, vm0, $0xb8;
	[tilespmem:$0x18200] =	vst v63  }
0xc9: {  	_ = 	snop  }
0xca: {  	[hbm4b:s7+s3] =	stream.indirect_vreg.scatter [tilespmem:s20], [sflag:$0x2], $0x80, v3, vm0, $0xb8;
	[tilespmem:$0x18200] =	vst v63  }
0xcb: {  	v3 =	vld [tilespmem:$0x18090];
	_ =	sdelay $0x4  }
0xcc: {  	v57 =	vshrl.u32 v3, $0x3  }
0xcd: {  	v4 =	vmul.u32 $0x30, v57  }
0xce: {  	v3 =	vand.u32 $0x7, v3  }
0xcf: {  	v3 =	vor.u32 v3, v4  }
0xd0: {  	v4 =	vperm.xlane v3, v0;
	_ =	sdelay $0x1  }
0xd1: {  	v4 =	vadd.s32 v1, v4;
	_ =	sdelay $0x3  }
0xd2: {  	v3 =	vperm.xlane v3, v2  }
0xd3: {  	[hbm4b:s5+s3] =	stream.indirect_vreg.scatter [tilespmem:s21], [sflag:$0x2], $0x80, v4, vm0, $0xb8;
	[tilespmem:$0x18200] =	vst v63  }
0xd4: {  	v3 =	vadd.s32 v1, v3  }
0xd5: {  	[hbm4b:s6+s3] =	stream.indirect_vreg.scatter [tilespmem:s22], [sflag:$0x2], $0x80, v4, vm0, $0xb8;
	[tilespmem:$0x18200] =	vst v63  }
0xd6: {  	_ = 	snop  }
0xd7: {  	[hbm4b:s7+s3] =	stream.indirect_vreg.scatter [tilespmem:s23], [sflag:$0x2], $0x80, v4, vm0, $0xb8;
	[tilespmem:$0x18200] =	vst v63  }
0xd8: {  	_ = 	snop  }
0xd9: {  	[hbm4b:s5+s3] =	stream.indirect_vreg.scatter [tilespmem:s24], [sflag:$0x2], $0x80, v3, vm0, $0xb8;
	[tilespmem:$0x18200] =	vst v63  }
0xda: {  	_ = 	snop  }
0xdb: {  	[hbm4b:s6+s3] =	stream.indirect_vreg.scatter [tilespmem:s25], [sflag:$0x2], $0x80, v3, vm0, $0xb8;
	[tilespmem:$0x18200] =	vst v63  }
0xdc: {  	_ = 	snop  }
0xdd: {  	[hbm4b:s7+s3] =	stream.indirect_vreg.scatter [tilespmem:s26], [sflag:$0x2], $0x80, v3, vm0, $0xb8;
	[tilespmem:$0x18200] =	vst v63  }
0xde: {  	v3 =	vld [tilespmem:$0x180A0];
	_ =	sdelay $0x4  }
0xdf: {  	v58 =	vshrl.u32 v3, $0x3  }
0xe0: {  	v4 =	vmul.u32 $0x30, v58  }
0xe1: {  	v3 =	vand.u32 $0x7, v3  }
0xe2: {  	v3 =	vor.u32 v3, v4  }
0xe3: {  	v4 =	vperm.xlane v3, v0;
	_ =	sdelay $0x1  }
0xe4: {  	v4 =	vadd.s32 v1, v4;
	_ =	sdelay $0x3  }
0xe5: {  	v3 =	vperm.xlane v3, v2  }
0xe6: {  	[hbm4b:s5+s3] =	stream.indirect_vreg.scatter [tilespmem:s28], [sflag:$0x2], $0x80, v4, vm0, $0xb8;
	[tilespmem:$0x18200] =	vst v63  }
0xe7: {  	v3 =	vadd.s32 v1, v3  }
0xe8: {  	[hbm4b:s6+s3] =	stream.indirect_vreg.scatter [tilespmem:s29], [sflag:$0x2], $0x80, v4, vm0, $0xb8;
	[tilespmem:$0x18200] =	vst v63  }
0xe9: {  	_ = 	snop  }
0xea: {  	[hbm4b:s7+s3] =	stream.indirect_vreg.scatter [tilespmem:s30], [sflag:$0x2], $0x80, v4, vm0, $0xb8;
	[tilespmem:$0x18200] =	vst v63  }
0xeb: {  	_ = 	snop  }
0xec: {  	[hbm4b:s5+s3] =	stream.indirect_vreg.scatter [tilespmem:s31], [sflag:$0x2], $0x80, v3, vm0, $0xb8;
	[tilespmem:$0x18200] =	vst v63  }
0xed: {  	s15 =	simm.s32 $0x8000  }
0xee: {  	[hbm4b:s6+s3] =	stream.indirect_vreg.scatter [tilespmem:s15], [sflag:$0x2], $0x80, v3, vm0, $0xb8;
	[tilespmem:$0x18200] =	vst v63  }
0xef: {  	_ = 	snop  }
0xf0: {  	[hbm4b:s7+s3] =	stream.indirect_vreg.scatter [tilespmem:s1], [sflag:$0x2], $0x80, v3, vm0, $0xb8;
	[tilespmem:$0x18200] =	vst v63  }
0xf1: {  	v3 =	vld [tilespmem:$0x180B0];
	_ =	sdelay $0x4  }
0xf2: {  	v59 =	vshrl.u32 v3, $0x3  }
0xf3: {  	v4 =	vmul.u32 $0x30, v59  }
0xf4: {  	v3 =	vand.u32 $0x7, v3  }
0xf5: {  	v3 =	vor.u32 v3, v4  }
0xf6: {  	v4 =	vperm.xlane v3, v0;
	_ =	sdelay $0x1  }
0xf7: {  	v4 =	vadd.s32 v1, v4;
	_ =	sdelay $0x3  }
0xf8: {  	v3 =	vperm.xlane v3, v2  }
0xf9: {  	[hbm4b:s5+s3] =	stream.indirect_vreg.scatter [tilespmem:s2], [sflag:$0x2], $0x80, v4, vm0, $0xb8;
	[tilespmem:$0x18200] =	vst v63  }
0xfa: {  	v3 =	vadd.s32 v1, v3  }
0xfb: {  	[hbm4b:s6+s3] =	stream.indirect_vreg.scatter [tilespmem:s9], [sflag:$0x2], $0x80, v4, vm0, $0xb8;
	[tilespmem:$0x18200] =	vst v63  }
0xfc: {  	_ = 	snop  }
0xfd: {  	[hbm4b:s7+s3] =	stream.indirect_vreg.scatter [tilespmem:s11], [sflag:$0x2], $0x80, v4, vm0, $0xb8;
	[tilespmem:$0x18200] =	vst v63  }
0xfe: {  	_ = 	snop  }
0xff: {  	[hbm4b:s5+s3] =	stream.indirect_vreg.scatter [tilespmem:s12], [sflag:$0x2], $0x80, v3, vm0, $0xb8;
	[tilespmem:$0x18200] =	vst v63  }
0x100: {  	_ = 	snop  }
0x101: {  	[hbm4b:s6+s3] =	stream.indirect_vreg.scatter [tilespmem:s13], [sflag:$0x2], $0x80, v3, vm0, $0xb8;
	[tilespmem:$0x18200] =	vst v63  }
0x102: {  	_ = 	snop  }
0x103: {  	[hbm4b:s7+s3] =	stream.indirect_vreg.scatter [tilespmem:s4], [sflag:$0x2], $0x80, v3, vm0, $0xb8;
	[tilespmem:$0x18200] =	vst v63  }
0x104: {  	v3 =	vld [tilespmem:$0x180C0];
	_ =	sdelay $0x4  }
0x105: {  	v60 =	vshrl.u32 v3, $0x3  }
0x106: {  	v4 =	vmul.u32 $0x30, v60  }
0x107: {  	v3 =	vand.u32 $0x7, v3  }
0x108: {  	v3 =	vor.u32 v3, v4  }
0x109: {  	v4 =	vperm.xlane v3, v0;
	_ =	sdelay $0x1  }
0x10a: {  	v4 =	vadd.s32 v1, v4;
	_ =	sdelay $0x3  }
0x10b: {  	v3 =	vperm.xlane v3, v2  }
0x10c: {  	[hbm4b:s5+s3] =	stream.indirect_vreg.scatter [tilespmem:s17], [sflag:$0x2], $0x80, v4, vm0, $0xb8;
	[tilespmem:$0x18200] =	vst v63  }
0x10d: {  	v3 =	vadd.s32 v1, v3  }
0x10e: {  	[hbm4b:s6+s3] =	stream.indirect_vreg.scatter [tilespmem:s18], [sflag:$0x2], $0x80, v4, vm0, $0xb8;
	[tilespmem:$0x18200] =	vst v63  }
0x10f: {  	s16 =	simm.s32 $0xD000  }
0x110: {  	[hbm4b:s7+s3] =	stream.indirect_vreg.scatter [tilespmem:s16], [sflag:$0x2], $0x80, v4, vm0, $0xb8;
	[tilespmem:$0x18200] =	vst v63  }
0x111: {  	s2 =	simm.s32 $0xD800  }
0x112: {  	[hbm4b:s5+s3] =	stream.indirect_vreg.scatter [tilespmem:s2], [sflag:$0x2], $0x80, v3, vm0, $0xb8;
	[tilespmem:$0x18200] =	vst v63  }
0x113: {  	s14 =	simm.s32 $0xE000  }
0x114: {  	[hbm4b:s6+s3] =	stream.indirect_vreg.scatter [tilespmem:s14], [sflag:$0x2], $0x80, v3, vm0, $0xb8;
	[tilespmem:$0x18200] =	vst v63  }
0x115: {  	s15 =	simm.s32 $0xE800  }
0x116: {  	[hbm4b:s7+s3] =	stream.indirect_vreg.scatter [tilespmem:s15], [sflag:$0x2], $0x80, v3, vm0, $0xb8;
	[tilespmem:$0x18200] =	vst v63  }
0x117: {  	v3 =	vld [tilespmem:$0x180D0];
	_ =	sdelay $0x4  }
0x118: {  	v61 =	vshrl.u32 v3, $0x3  }
0x119: {  	v4 =	vmul.u32 $0x30, v61  }
0x11a: {  	v3 =	vand.u32 $0x7, v3  }
0x11b: {  	v3 =	vor.u32 v3, v4  }
0x11c: {  	v4 =	vperm.xlane v3, v0;
	_ =	sdelay $0x1  }
0x11d: {  	v4 =	vadd.s32 v1, v4;
	_ =	sdelay $0x3  }
0x11e: {  	s16 =	simm.s32 $0xF000;
	v3 =	vperm.xlane v3, v2  }
0x11f: {  	[hbm4b:s5+s3] =	stream.indirect_vreg.scatter [tilespmem:s16], [sflag:$0x2], $0x80, v4, vm0, $0xb8;
	[tilespmem:$0x18200] =	vst v63  }
0x120: {  	s2 =	simm.s32 $0xF800;
	v3 =	vadd.s32 v1, v3  }
0x121: {  	[hbm4b:s6+s3] =	stream.indirect_vreg.scatter [tilespmem:s2], [sflag:$0x2], $0x80, v4, vm0, $0xb8;
	[tilespmem:$0x18200] =	vst v63  }
0x122: {  	s14 =	simm.s32 $0x10000  }
0x123: {  	[hbm4b:s7+s3] =	stream.indirect_vreg.scatter [tilespmem:s14], [sflag:$0x2], $0x80, v4, vm0, $0xb8;
	[tilespmem:$0x18200] =	vst v63  }
0x124: {  	s15 =	simm.s32 $0x10800  }
0x125: {  	[hbm4b:s5+s3] =	stream.indirect_vreg.scatter [tilespmem:s15], [sflag:$0x2], $0x80, v3, vm0, $0xb8;
	[tilespmem:$0x18200] =	vst v63  }
0x126: {  	s16 =	simm.s32 $0x11000  }
0x127: {  	[hbm4b:s6+s3] =	stream.indirect_vreg.scatter [tilespmem:s16], [sflag:$0x2], $0x80, v3, vm0, $0xb8;
	[tilespmem:$0x18200] =	vst v63  }
0x128: {  	s2 =	simm.s32 $0x11800  }
0x129: {  	[hbm4b:s7+s3] =	stream.indirect_vreg.scatter [tilespmem:s2], [sflag:$0x2], $0x80, v3, vm0, $0xb8;
	[tilespmem:$0x18200] =	vst v63  }
0x12a: {  	v3 =	vld [tilespmem:$0x180E0];
	_ =	sdelay $0x4  }
0x12b: {  	v62 =	vshrl.u32 v3, $0x3  }
0x12c: {  	v4 =	vmul.u32 $0x30, v62  }
0x12d: {  	v3 =	vand.u32 $0x7, v3  }
0x12e: {  	v3 =	vor.u32 v3, v4  }
0x12f: {  	v4 =	vperm.xlane v3, v0;
	_ =	sdelay $0x1  }
0x130: {  	v4 =	vadd.s32 v1, v4;
	_ =	sdelay $0x3  }
0x131: {  	s14 =	simm.s32 $0x12000;
	v3 =	vperm.xlane v3, v2  }
0x132: {  	[hbm4b:s5+s3] =	stream.indirect_vreg.scatter [tilespmem:s14], [sflag:$0x2], $0x80, v4, vm0, $0xb8;
	[tilespmem:$0x18200] =	vst v63  }
0x133: {  	s15 =	simm.s32 $0x12800;
	v3 =	vadd.s32 v1, v3  }
0x134: {  	[hbm4b:s6+s3] =	stream.indirect_vreg.scatter [tilespmem:s15], [sflag:$0x2], $0x80, v4, vm0, $0xb8;
	[tilespmem:$0x18200] =	vst v63  }
0x135: {  	s16 =	simm.s32 $0x13000  }
0x136: {  	[hbm4b:s7+s3] =	stream.indirect_vreg.scatter [tilespmem:s16], [sflag:$0x2], $0x80, v4, vm0, $0xb8;
	[tilespmem:$0x18200] =	vst v63  }
0x137: {  	s2 =	simm.s32 $0x13800  }
0x138: {  	[hbm4b:s5+s3] =	stream.indirect_vreg.scatter [tilespmem:s2], [sflag:$0x2], $0x80, v3, vm0, $0xb8;
	[tilespmem:$0x18200] =	vst v63  }
0x139: {  	s14 =	simm.s32 $0x14000  }
0x13a: {  	[hbm4b:s6+s3] =	stream.indirect_vreg.scatter [tilespmem:s14], [sflag:$0x2], $0x80, v3, vm0, $0xb8;
	[tilespmem:$0x18200] =	vst v63  }
0x13b: {  	s15 =	simm.s32 $0x14800  }
0x13c: {  	[hbm4b:s7+s3] =	stream.indirect_vreg.scatter [tilespmem:s15], [sflag:$0x2], $0x80, v3, vm0, $0xb8;
	[tilespmem:$0x18200] =	vst v63  }
0x13d: {  	v3 =	vld [tilespmem:$0x180F0];
	_ =	sdelay $0x4  }
0x13e: {  	v63 =	vshrl.u32 v3, $0x3  }
0x13f: {  	v4 =	vmul.u32 $0x30, v63  }
0x140: {  	v3 =	vand.u32 $0x7, v3  }
0x141: {  	v3 =	vor.u32 v3, v4  }
0x142: {  	v4 =	vperm.xlane v3, v0;
	_ =	sdelay $0x1  }
0x143: {  	v4 =	vadd.s32 v1, v4;
	_ =	sdelay $0x3  }
0x144: {  	s16 =	simm.s32 $0x15000;
	v3 =	vperm.xlane v3, v2  }
0x145: {  	[hbm4b:s5+s3] =	stream.indirect_vreg.scatter [tilespmem:s16], [sflag:$0x2], $0x80, v4, vm0, $0xb8;
	[tilespmem:$0x18200] =	vst v63  }
0x146: {  	s2 =	simm.s32 $0x15800;
	v3 =	vadd.s32 v1, v3  }
0x147: {  	[hbm4b:s6+s3] =	stream.indirect_vreg.scatter [tilespmem:s2], [sflag:$0x2], $0x80, v4, vm0, $0xb8;
	[tilespmem:$0x18200] =	vst v63  }
0x148: {  	s14 =	simm.s32 $0x16000  }
0x149: {  	[hbm4b:s7+s3] =	stream.indirect_vreg.scatter [tilespmem:s14], [sflag:$0x2], $0x80, v4, vm0, $0xb8;
	[tilespmem:$0x18200] =	vst v63  }
0x14a: {  	s15 =	simm.s32 $0x16800  }
0x14b: {  	[hbm4b:s5+s3] =	stream.indirect_vreg.scatter [tilespmem:s15], [sflag:$0x2], $0x80, v3, vm0, $0xb8;
	[tilespmem:$0x18200] =	vst v63  }
0x14c: {  	s16 =	simm.s32 $0x17000  }
0x14d: {  	[hbm4b:s6+s3] =	stream.indirect_vreg.scatter [tilespmem:s16], [sflag:$0x2], $0x80, v3, vm0, $0xb8;
	[tilespmem:$0x18200] =	vst v63  }
0x14e: {  	s1 =	simm.s32 $0x18000;
	s14 =	rddreg [dreg:$0x6]  }
0x14f: {  	[hbm4b:s7+s3] =	stream.indirect_vreg.scatter [tilespmem:s0], [sflag:$0x2], $0x80, v3, vm0, $0xb8;
	[tilespmem:$0x18200] =	vst v63  }
0x150: {  	s2 =	simm.s32 $0x18100;
	s16 =	rddreg [dreg:$0x2];
	s0 =	simm.s32 $0x80  }
0x151: {  	[hbm4b:s16+s0] =	stream.indirect.scatter [tilespmem:s2], [sflag:$0x3], $0x1, s1, s0, $0xb8;
	[tilespmem:$0x18200] =	vst v63  }
0x152: {  	s15 =	rddreg [dreg:$0x7];
	s2 =	simm.s32 $0x1  }
0x153: {  	[hbm4b:s16+s0] =	stream.indirect.scatter [tilespmem:s15], [sflag:$0x4], $0x1, s14, s0, $0xb8;
	[tilespmem:$0x18200] =	vst v63  }
0x154: {  	_ =	swait.ge [sflag:s2], $0x18000  }
0x155: {  	[sflag:s2] =	ssyncset.done $0x0  }
0x156: {  	s14 =	simm.s32 $0x2;
	[sflag:s2] =	ssyncadd.s32 $0xFFFE8000  }
0x157: {  	_ =	swait.ge [sflag:s14], $0x18000  }
0x158: {  	[sflag:s14] =	ssyncset.done $0x0  }
0x159: {  	s15 =	simm.s32 $0x3;
	[sflag:s14] =	ssyncadd.s32 $0xFFFE8000  }
0x15a: {  	p0 =	sne.s32 s8, $0x1;
	_ =	swait.ge [sflag:s15], $0x80  }
.Ltmp0:
0x15b: {  	[sflag:s15] =	ssyncset.done $0x0;
	(pc) =	sbr.rel @p0 .LBB2_1-.Ltmp0, $4  }
0x15c: {  	s16 =	simm.s32 $0x4;
	[sflag:s15] =	ssyncadd.s32 $0xFFFFFF80  }
0x15d: {  	_ =	swait.ge [sflag:s16], $0x80  }
0x15e: {  	[sflag:s16] =	ssyncset.done $0x0  }
0x15f: {  	s8 =	sadd.s32 $0xFFFFFFFF, s8;
	[sflag:s16] =	ssyncadd.s32 $0xFFFFFF80  }
0x160: {  	_ =	sfence.sel $0x180000  }
0x161: {  	[bflag:$0x0] =	sbarrier.arrive $0xFFFF  }
0x162: {  	_ =	strace $0x90000047  }
0x163: {  	s0 =	stileid.u32;
	[bflag:$0x2] =	sbarrier.arrive $0xFFFF  }
0x164: {  	p0 =	sne.s32 s0, $0x0;
	s0 =	rddreg [dreg:$0x3]  }
0x165: {  	s0 =	sadd.s32 @!p0 $0x100000, s0  }
0x166: {  	[sflag:s0] =	ssyncadd.tile.s32 @!p0 $0x1;
	_ =	shalt  }
.Lfunc_end2:
_tile_overlayer_lowered:
.L_overlay_start_2:
0x167: {  	(tag) =	ssettag $0x2  }
0x168: {  	s0 =	rddreg [dreg:$0x0];
	s2 =	stileid.u32  }
0x169: {  	s1 =	rddreg [dreg:$0x1];
	p0 =	sne.s32 s2, $0x0  }
0x16a: {  	s3 =	rddreg [dreg:$0x2];
	[bflag:$0x3] =	sbarrier.arrive $0xFFFF;
	s2 =	simm.s32 @!p0 $0x1C05  }
0x16b: {  	[timem:s3], [sflag:s2] =	dma.local @!p0 [hbm:s0], s1  }
0x16c: {  	s0 =	simm.s32 @!p0 $0x5  }
0x16d: {  	_ =	swait.ge @!p0 [sflag:s0], s1  }
0x16e: {  	s1 =	ssub.s32 @!p0 $0x0, s1;
	[sflag:s0] =	ssyncset.done @!p0 $0x0  }
0x16f: {  	[sflag:s0] =	ssyncadd.s32 @!p0 s1  }
0x170: {  	[bflag:$0x3] =	sbarrier.arrive $0xFFFF  }
0x171: {  	_ =	shalt  }

// kernel: kernel.9.cloned.1.call-start
scs
__scs_entry_jumppad:
0x0: {  	(pc) =	sbr.rel $0x88, $3  }
0x1: {  	(tag) =	ssettag $0x0;
	lr =	simm.s32 $0x1  }
0x2: {  	[smem:$0x3F9B] =	sst lr;
	_ =	strace $0xD0000000  }
0x3: {  	_ = 	snop  }
0x4: {  	_ = 	snop  }
0x5: {  	_ = 	snop  }
0x6: {  	_ = 	snop  }
0x7: {  	_ = 	snop  }
__scs_overlays_trampoline_lowered:
0x8: {  	[smem:$0x3FAA] =	sst s0  }
0x9: {  	[smem:$0x3FAB] =	sst s1  }
0xa: {  	[smem:$0x3FAC] =	sst s2  }
0xb: {  	[smem:$0x3FAD] =	sst s3  }
0xc: {  	[smem:$0x3FAE] =	sst s4  }
0xd: {  	[smem:$0x3FAF] =	sst s5  }
0xe: {  	[smem:$0x3FB0] =	sst s6  }
0xf: {  	[smem:$0x3FB1] =	sst s7  }
0x10: {  	[smem:$0x3FB2] =	sst s8  }
0x11: {  	[smem:$0x3FB3] =	sst s9;
	s0 =	simm.s32 @!p0 $0x0  }
0x12: {  	s1 =	sld [smem:$0x3F99];
	s0 =	simm.s32 @p0 $0x1  }
0x13: {  	[smem:$0x3FB4] =	sst s0;
	s0 =	simm.s32 @!p1 $0x0  }
0x14: {  	s2 =	sld [smem:$0x3F98];
	s0 =	simm.s32 @p1 $0x1  }
0x15: {  	[smem:$0x3FB5] =	sst s0;
	s0 =	simm.s32 @!p2 $0x0  }
0x16: {  	s3 =	sld [smem:$0x3FDB];
	s0 =	simm.s32 @p2 $0x1  }
0x17: {  	s4 =	simm.s32 $0x1BF5;
	[smem:$0x3FB7] =	sst s0  }
0x18: {  	s0 =	sld [smem:$0x3F9A];
	_ =	swait.ge [sflag:s4], $0x0  }
0x19: {  	s7 =	sld [smem:$0x3F9B]  }
0x1a: {  	s8 =	sadd.s32 $0xFFFFE003, lr  }
0x1b: {  	s9 =	sadd.s32 $0xFFFFFEF7, lr;
	s5 =	simm.s32 $0xFFFFFFFF;
	p2 =	slt.u32 s8, $0xFFFFF086  }
0x1c: {  	p1 =	slt.u32 s9, $0xF7A;
	s5 =	simm.s32 @!p2 $0x0  }
0x1d: {  	s5 =	simm.s32 @p1 $0x1;
	p0 =	seq.s32 s7, s2  }
0x1e: {  	s7 =	smul.u32 @!p0 $0xF7A, s2;
	p2 =	seq.s32 @!p0 s5, $0x0  }
0x1f: {  	s9 =	smul.u32 $0xF7A, s1;
	s8 =	simm.s32 @!p0 $0x1BF5;
	p2 =	por !p2, p0  }
0x20: {  	[sflag:s8] =	ssyncset.s32 @!p0 $0xFFFFF086;
	s6 =	sadd.s32 @!p0 s3, s7;
	s7 =	simm.s32 @!p0 $0x108  }
0x21: {  	s3 =	sadd.s32 s3, s9;
	s6 =	sadd.s32 @!p0 $0x88, s6;
	s7 =	simm.s32 @p2 $0x1082  }
0x22: {  	[simem:s7], [sflag:s8] =	dma.local @!p0 [hbm:s6], $0xF7A  }
0x23: {  	s9 =	sor.u32 $0xD0000000, s2;
	s6 =	simm.s32 $0x108;
	_ =	swait.ge @!p0 [sflag:s8], $0x0  }
0x24: {  	s3 =	sadd.s32 $0x88, s3;
	s6 =	simm.s32 @!p1 $0x1082;
	[sflag:s4] =	ssyncset.s32 $0xFFFFF086  }
0x25: {  	[simem:s6], [sflag:s4] =	dma.local [hbm:s3], $0xF7A  }
0x26: {  	[smem:$0x3F9B] =	sst s1;
	(tag) =	ssettag s2;
	_ =	strace s9  }
0x27: {  	s1 =	sld [smem:$0x3FAB]  }
0x28: {  	s2 =	sld [smem:$0x3FAC]  }
0x29: {  	s4 =	sld [smem:$0x3FAE]  }
0x2a: {  	p0 =	seq.s32 s5, $0x0;
	s5 =	sld [smem:$0x3FAF]  }
0x2b: {  	s6 =	sld [smem:$0x3FB0]  }
0x2c: {  	s7 =	sld [smem:$0x3FB1]  }
0x2d: {  	s3 =	simm.s32 $0x108;
	s8 =	sld [smem:$0x3FB2]  }
0x2e: {  	s3 =	simm.s32 @!p0 $0x1082;
	s9 =	sld [smem:$0x3FB3]  }
0x2f: {  	lr =	sadd.s32 s0, s3;
	s0 =	sld [smem:$0x3FAA]  }
0x30: {  	s3 =	sld [smem:$0x3FAD]  }
0x31: {  	[smem:$0x3FB6] =	sst s10  }
0x32: {  	s10 =	sld [smem:$0x3FB4];
	_ =	sdelay $0x3  }
0x33: {  	p0 =	seq.s32 s10, $0x1;
	s10 =	sld [smem:$0x3FB6];
	_ =	sdelay $0x3  }
0x34: {  	[smem:$0x3FB6] =	sst s10  }
0x35: {  	s10 =	sld [smem:$0x3FB5];
	_ =	sdelay $0x3  }
0x36: {  	p1 =	seq.s32 s10, $0x1;
	s10 =	sld [smem:$0x3FB6];
	_ =	sdelay $0x3  }
0x37: {  	[smem:$0x3FB6] =	sst s10  }
0x38: {  	s10 =	sld [smem:$0x3FB7]  }
0x39: {  	_ = 	snop;
	(pc) =	sbr.ind lr, $3  }
0x3a: {  	_ = 	snop  }
0x3b: {  	_ = 	snop  }
0x3c: {  	p2 =	seq.s32 s10, $0x1;
	s10 =	sld [smem:$0x3FB6]  }
0x3d: {  	_ =	shalt  }
0x3e: {  	_ =	shalt  }
0x3f: {  	_ =	shalt  }
0x40: {  	_ =	shalt  }
0x41: {  	_ =	shalt  }
0x42: {  	_ =	shalt  }
0x43: {  	_ =	shalt  }
0x44: {  	_ =	shalt  }
0x45: {  	_ =	shalt  }
0x46: {  	_ =	shalt  }
0x47: {  	_ =	shalt  }
0x48: {  	_ =	shalt  }
0x49: {  	_ =	shalt  }
0x4a: {  	_ =	shalt  }
0x4b: {  	_ =	shalt  }
0x4c: {  	_ =	shalt  }
0x4d: {  	_ =	shalt  }
0x4e: {  	_ =	shalt  }
0x4f: {  	_ =	shalt  }
0x50: {  	_ =	shalt  }
0x51: {  	_ =	shalt  }
0x52: {  	_ =	shalt  }
0x53: {  	_ =	shalt  }
0x54: {  	_ =	shalt  }
0x55: {  	_ =	shalt  }
0x56: {  	_ =	shalt  }
0x57: {  	_ =	shalt  }
0x58: {  	_ =	shalt  }
0x59: {  	_ =	shalt  }
0x5a: {  	_ =	shalt  }
0x5b: {  	_ =	shalt  }
0x5c: {  	_ =	shalt  }
0x5d: {  	_ =	shalt  }
0x5e: {  	_ =	shalt  }
0x5f: {  	_ =	shalt  }
0x60: {  	_ =	shalt  }
0x61: {  	_ =	shalt  }
0x62: {  	_ =	shalt  }
0x63: {  	_ =	shalt  }
0x64: {  	_ =	shalt  }
0x65: {  	_ =	shalt  }
0x66: {  	_ =	shalt  }
0x67: {  	_ =	shalt  }
0x68: {  	_ =	shalt  }
0x69: {  	_ =	shalt  }
0x6a: {  	_ =	shalt  }
0x6b: {  	_ =	shalt  }
0x6c: {  	_ =	shalt  }
0x6d: {  	_ =	shalt  }
0x6e: {  	_ =	shalt  }
0x6f: {  	_ =	shalt  }
0x70: {  	_ =	shalt  }
0x71: {  	_ =	shalt  }
0x72: {  	_ =	shalt  }
0x73: {  	_ =	shalt  }
0x74: {  	_ =	shalt  }
0x75: {  	_ =	shalt  }
0x76: {  	_ =	shalt  }
0x77: {  	_ =	shalt  }
0x78: {  	_ =	shalt  }
0x79: {  	_ =	shalt  }
0x7a: {  	_ =	shalt  }
0x7b: {  	_ =	shalt  }
0x7c: {  	_ =	shalt  }
0x7d: {  	_ =	shalt  }
0x7e: {  	_ =	shalt  }
0x7f: {  	_ =	shalt  }
0x80: {  	_ =	shalt  }
0x81: {  	_ =	shalt  }
0x82: {  	_ =	shalt  }
0x83: {  	_ =	shalt  }
0x84: {  	_ =	shalt  }
0x85: {  	_ =	shalt  }
0x86: {  	_ =	shalt  }
0x87: {  	_ =	shalt  }
.Lfunc_end0:
.L_simem_size_0:
called_computation.1_lowered:
.L_overlay_start_0:
0x88: {  	s2 =	sld [smem:$0x3FD9]  }
0x89: {  	s3 =	sld [smem:$0x3FFE];
	_ =	sdelay $0x1  }
0x8a: {  	s1 =	srdreg.scid  }
0x8b: {  	s0 =	sand.u32 $0x1, s1  }
0x8c: {  	s17 =	sshll.u32 s0, $0xA;
	s2 =	sadd.s32 s3, s2  }
0x8d: {  	s2 =	sadd.s32 s2, s17  }
0x8e: {  	[smem:$0x3FC2] =	sst s2  }
0x8f: {  	_ = 	snop  }
0x90: {  	s2 =	sld [smem:$0x3FD0];
	(tm) =	ssettm $0x1  }
0x91: {  	s18 =	sld [smem:$0x3FFB];
	_ =	sdelay $0x3  }
0x92: {  	_ =	strace s18  }
0x93: {  	s3 =	sld [smem:$0x3FFC];
	_ =	sdelay $0x3  }
0x94: {  	_ =	strace s3  }
0x95: {  	s3 =	sld [smem:$0x3FFD];
	_ =	sdelay $0x3  }
0x96: {  	_ =	strace s3  }
0x97: {  	_ =	strace $0x8FFFFFFF  }
0x98: {  	s19 =	sld [smem:$0x3FDB];
	_ =	sdelay $0x1  }
0x99: {  	s4 =	simm.s32 $_scs_section_size  }
0x9a: {  	s5 =	simm.s32 $_size__tile_overlayer_lowered;
	s6 =	simm.s32 $_tile_overlayer_lowered  }
0x9b: {  	s22 =	simm.s32 $0x1BFF;
	s21 =	sshll.u32 s6, $0x1;
	s3 =	sadd.s32 s4, s19  }
0x9c: {  	s7 =	simm.s32 $0x0;
	s20 =	sshll.u32 s5, $0x1;
	s5 =	sadd.s32 s21, s3  }
0x9d: {  	[timem:s7], [sflag:s22] =	dma.local [hbm:s5], s20  }
0x9e: {  	_ =	swait.ge [sflag:s22], s20  }
0x9f: {  	s4 =	ssub.s32 $0x0, s20;
	[sflag:s22] =	ssyncset.done $0x0  }
0xa0: {  	[sflag:s22] =	ssyncadd.s32 s4;
	_ =	sdelay $0x1  }
0xa1: {  	s23 =	simm.s32 $0x1B8B  }
0xa2: {  	_ =	swait.ge [sflag:s23], $0x1  }
0xa3: {  	[sflag:s23] =	ssyncset.done $0x0  }
0xa4: {  	s25 =	simm.s32 $0x1B8E;
	s24 =	sld [smem:$0x3FFE];
	[sflag:s23] =	ssyncadd.s32 $0xFFFFFFFF  }
0xa5: {  	s26 =	simm.s32 $execute0_lowered;
	[smem:$0x3FD2] =	sst s25  }
0xa6: {  	s5 =	sshll.u32 s26, $0x1;
	_ =	strace $0x80000049;
	[dreg:$0x1] =	wrdreg $0xFFFFFFFF  }
0xa7: {  	s28 =	simm.s32 $_size_execute0_lowered;
	s3 =	sadd.s32 s3, s5;
	[dreg:$0x0] =	wrdreg $0x0  }
0xa8: {  	s5 =	sshll.u32 s28, $0x1;
	[dreg:$0x2] =	wrdreg s3  }
0xa9: {  	[dreg:$0x3] =	wrdreg s5  }
0xaa: {  	[dreg:$0x4] =	wrdreg $0xC0  }
0xab: {  	_ =	task [dreg:s7], $0x5FFFF  }
0xac: {  	[dreg:$0x1] =	wrdreg $0xFFFFFFFF  }
0xad: {  	[dreg:$0x0] =	wrdreg $0x60  }
0xae: {  	[dreg:$0x2] =	wrdreg s24  }
0xaf: {  	[dreg:$0x3] =	wrdreg s2  }
0xb0: {  	[dreg:$0x4] =	wrdreg $0x9  }
0xb1: {  	_ =	task.clear_ibuf [dreg:s7], $0x5FFFF;
	_ =	strace $0x90000049  }
0xb2: {  	s29 =	simm.s32 $0x9;
	_ =	strace $0x8000004B  }
0xb3: {  	_ =	swait.ge [sflag:s29], $0x1  }
0xb4: {  	[sflag:s29] =	ssyncadd.s32 $0xFFFFFFFF  }
0xb5: {  	_ =	strace $0x9000004B  }
0xb6: {  	_ =	sfence  }
0xb7: {  	s30 =	sld [smem:$0x0];
	_ =	sdelay $0x2  }
0xb8: {  	s31 =	sshll.u32 s1, $0xD;
	s1 =	sshrl.u32 s1, $0x2  }
0xb9: {  	s3 =	sand.u32 $0x4000, s31;
	s1 =	sadd.s32 s1, s30  }
0xba: {  	s0 =	sor.u32 s3, s0;
	s1 =	sshll.u32 s1, $0x11  }
0xbb: {  	s0 =	sor.u32 s1, s0  }
0xbc: {  	s0 =	sadd.s32 $0x8F2B, s0  }
0xbd: {  	[sflag:s0] =	ssyncadd.remote.s32 $0x1  }
0xbe: {  	_ =	sfence.sel $0xFFFF  }
0xbf: {  	[dreg:$0x0] =	wrdreg $0xFFFFFFFF;
	(pc) =	sbr.abs _section_cstart, $3  }
0xc0: {  	[dreg:$0x1] =	wrdreg $0xFFFFFFFF  }
0xc1: {  	_ =	task.clear_ibuf [dreg:s7], $0x2FFFF;
	_ =	strace $0x9FFFFFFF  }
0xc2: {  	(tm) =	ssettm $0x7FFFFFFF  }
0xc3: {  	_ =	shalt  }
tec
execute0_lowered:
.L_overlay_start_1:
0x0: {  	(tag) =	ssettag $0x1  }
0x1: {  	s0 =	rddreg [dreg:$0x0]  }
0x2: {  	s1 =	simm.s32 $0x0;
	s24 =	srdreg.scid;
	s7 =	stileid.u32  }
0x3: {  	s11 =	simm.s32 $0x3;
	s13 =	simm.s32 $0x100;
	s28 =	simm.s32 $0x12900  }
0x4: {  	s29 =	simm.s32 $0x13100;
	s30 =	simm.s32 $0x13900;
	s31 =	simm.s32 $0x14100  }
0x5: {  	s10 =	simm.s32 $0x15900;
	s12 =	simm.s32 $0x17100;
	s14 =	simm.s32 $0x17900  }
0x6: {  	s15 =	simm.s32 $0x1;
	s16 =	simm.s32 $0x2;
	s18 =	simm.s32 $0x0  }
0x7: {  	[smem:$0x7FF] =	sst s1;
	s1 =	sand.u32 $0x1, s24;
	s4 =	sadd.s32 $0x188200, s0  }
0x8: {  	s5 =	sadd.s32 $0x600, s0;
	s6 =	sadd.s32 $0x400, s0;
	s25 =	sshll.u32 s7, $0x5  }
0x9: {  	s8 =	sadd.s32 $0x188300, s0;
	s9 =	sadd.s32 $0x188400, s0;
	s2 =	ssub.s32 $0x2, s1  }
0xa: {  	s0 =	simm.s32 $0x14900;
	s1 =	sshll.u32 s1, $0x4;
	s3 =	sshrl.u32 s2, $0x1  }
0xb: {  	v2 =	vlaneseq.u32;
	_ =	strace $0x8000004A;
	s7 =	sor.u32 s1, s25;
	s2 =	ssub.s32 s2, s3  }
0xc: {  	vm0 =	vmmov $0xffff;
	v1 =	vshrl.u32 v2, $0x3;
	s1 =	simm.s32 $0x16100;
	s3 =	simm.s32 $0x15100;
	s26 =	smax.u32 s2, $0x1  }
0xd: {  	v0 =	vand.u32 $0x7, v2;
	v2 =	vor.u32 $0x8, v2;
	v1 =	vmul.u32 $0x8, v1;
	s2 =	simm.s32 $0x16900;
	[dreg:$0x3] =	wrdreg s26;
	s26 =	simm.s32 $0x12100  }
.LBB2_1:
0xe: {  	[dreg:$0x4] =	wrdreg s18;
	p0 =	por $0x1, $0x1;
	s17 =	simm.s32 $0x0  }
.LBB2_2:
0xf: {  	s17 =	sor.u32 s7, s17  }
0x10: {  	s18 =	simm.s32 $0x0;
	s19 =	sadd.s32 s5, s17  }
0x11: {  	[tilespmem:s18], [sflag:$0x3] =	stream.linear.gather [hbm4b:s19+s18], $0x40, $0x38;
	[tilespmem:$0x18100] =	vst v63  }
0x12: {  	_ =	swait.ge [sflag:s11], $0x40  }
0x13: {  	[sflag:s11] =	ssyncset.done $0x0  }
0x14: {  	s20 =	simm.s32 $0x80;
	s24 =	sadd.s32 s6, s17;
	[sflag:s11] =	ssyncadd.s32 $0xFFFFFFC0  }
0x15: {  	[tilespmem:s20], [sflag:$0x3] =	stream.linear.gather [hbm4b:s24+s18], $0x40, $0x38;
	[tilespmem:$0x18100] =	vst v63  }
0x16: {  	_ =	swait.ge [sflag:s11], $0x40  }
0x17: {  	[sflag:s11] =	ssyncset.done $0x0  }
0x18: {  	[sflag:s11] =	ssyncadd.s32 $0xFFFFFFC0  }
0x19: {  	v3 =	vld [tilespmem:$0x0];
	_ =	sdelay $0x4  }
0x1a: {  	v4 =	vshrl.u32 v3, $0x3  }
0x1b: {  	v4 =	vmul.u32 $0x30, v4  }
0x1c: {  	v3 =	vand.u32 $0x7, v3  }
0x1d: {  	v3 =	vor.u32 v3, v4  }
0x1e: {  	v4 =	vperm.xlane v3, v0;
	_ =	sdelay $0x1  }
0x1f: {  	v4 =	vadd.s32 v1, v4;
	_ =	sdelay $0x3  }
0x20: {  	v3 =	vperm.xlane v3, v2  }
0x21: {  	[tilespmem:s13], [sflag:$0x1] =	stream.indirect_vreg.gather [hbm4b:s4+s18], $0x80, v4, vm0, $0xb8;
	[tilespmem:$0x18100] =	vst v63  }
0x22: {  	s25 =	simm.s32 $0x900;
	v3 =	vadd.s32 v1, v3  }
0x23: {  	[tilespmem:s25], [sflag:$0x1] =	stream.indirect_vreg.gather [hbm4b:s8+s18], $0x80, v4, vm0, $0xb8;
	[tilespmem:$0x18100] =	vst v63  }
0x24: {  	s20 =	simm.s32 $0x1100  }
0x25: {  	[tilespmem:s20], [sflag:$0x1] =	stream.indirect_vreg.gather [hbm4b:s9+s18], $0x80, v4, vm0, $0xb8;
	[tilespmem:$0x18100] =	vst v63  }
0x26: {  	s21 =	simm.s32 $0x1900  }
0x27: {  	[tilespmem:s21], [sflag:$0x1] =	stream.indirect_vreg.gather [hbm4b:s4+s18], $0x80, v3, vm0, $0xb8;
	[tilespmem:$0x18100] =	vst v63  }
0x28: {  	s22 =	simm.s32 $0x2100  }
0x29: {  	[tilespmem:s22], [sflag:$0x1] =	stream.indirect_vreg.gather [hbm4b:s8+s18], $0x80, v3, vm0, $0xb8;
	[tilespmem:$0x18100] =	vst v63  }
0x2a: {  	s23 =	simm.s32 $0x2900  }
0x2b: {  	[tilespmem:s23], [sflag:$0x1] =	stream.indirect_vreg.gather [hbm4b:s9+s18], $0x80, v3, vm0, $0xb8;
	[tilespmem:$0x18100] =	vst v63  }
0x2c: {  	v3 =	vld [tilespmem:$0x10];
	_ =	sdelay $0x4  }
0x2d: {  	v4 =	vshrl.u32 v3, $0x3  }
0x2e: {  	v4 =	vmul.u32 $0x30, v4  }
0x2f: {  	v3 =	vand.u32 $0x7, v3  }
0x30: {  	v3 =	vor.u32 v3, v4  }
0x31: {  	v4 =	vperm.xlane v3, v0;
	_ =	sdelay $0x1  }
0x32: {  	v4 =	vadd.s32 v1, v4;
	_ =	sdelay $0x3  }
0x33: {  	s24 =	simm.s32 $0x3100;
	v3 =	vperm.xlane v3, v2  }
0x34: {  	[tilespmem:s24], [sflag:$0x1] =	stream.indirect_vreg.gather [hbm4b:s4+s18], $0x80, v4, vm0, $0xb8;
	[tilespmem:$0x18100] =	vst v63  }
0x35: {  	s25 =	simm.s32 $0x3900;
	v3 =	vadd.s32 v1, v3  }
0x36: {  	[tilespmem:s25], [sflag:$0x1] =	stream.indirect_vreg.gather [hbm4b:s8+s18], $0x80, v4, vm0, $0xb8;
	[tilespmem:$0x18100] =	vst v63  }
0x37: {  	s20 =	simm.s32 $0x4100  }
0x38: {  	[tilespmem:s20], [sflag:$0x1] =	stream.indirect_vreg.gather [hbm4b:s9+s18], $0x80, v4, vm0, $0xb8;
	[tilespmem:$0x18100] =	vst v63  }
0x39: {  	s21 =	simm.s32 $0x4900  }
0x3a: {  	[tilespmem:s21], [sflag:$0x1] =	stream.indirect_vreg.gather [hbm4b:s4+s18], $0x80, v3, vm0, $0xb8;
	[tilespmem:$0x18100] =	vst v63  }
0x3b: {  	s22 =	simm.s32 $0x5100  }
0x3c: {  	[tilespmem:s22], [sflag:$0x1] =	stream.indirect_vreg.gather [hbm4b:s8+s18], $0x80, v3, vm0, $0xb8;
	[tilespmem:$0x18100] =	vst v63  }
0x3d: {  	s23 =	simm.s32 $0x5900  }
0x3e: {  	[tilespmem:s23], [sflag:$0x1] =	stream.indirect_vreg.gather [hbm4b:s9+s18], $0x80, v3, vm0, $0xb8;
	[tilespmem:$0x18100] =	vst v63  }
0x3f: {  	v3 =	vld [tilespmem:$0x20];
	_ =	sdelay $0x4  }
0x40: {  	v4 =	vshrl.u32 v3, $0x3  }
0x41: {  	v4 =	vmul.u32 $0x30, v4  }
0x42: {  	v3 =	vand.u32 $0x7, v3  }
0x43: {  	v3 =	vor.u32 v3, v4  }
0x44: {  	v4 =	vperm.xlane v3, v0;
	_ =	sdelay $0x1  }
0x45: {  	v4 =	vadd.s32 v1, v4;
	_ =	sdelay $0x3  }
0x46: {  	s24 =	simm.s32 $0x6100;
	v3 =	vperm.xlane v3, v2  }
0x47: {  	[tilespmem:s24], [sflag:$0x1] =	stream.indirect_vreg.gather [hbm4b:s4+s18], $0x80, v4, vm0, $0xb8;
	[tilespmem:$0x18100] =	vst v63  }
0x48: {  	s25 =	simm.s32 $0x6900;
	v3 =	vadd.s32 v1, v3  }
0x49: {  	[tilespmem:s25], [sflag:$0x1] =	stream.indirect_vreg.gather [hbm4b:s8+s18], $0x80, v4, vm0, $0xb8;
	[tilespmem:$0x18100] =	vst v63  }
0x4a: {  	s20 =	simm.s32 $0x7100  }
0x4b: {  	[tilespmem:s20], [sflag:$0x1] =	stream.indirect_vreg.gather [hbm4b:s9+s18], $0x80, v4, vm0, $0xb8;
	[tilespmem:$0x18100] =	vst v63  }
0x4c: {  	s21 =	simm.s32 $0x7900  }
0x4d: {  	[tilespmem:s21], [sflag:$0x1] =	stream.indirect_vreg.gather [hbm4b:s4+s18], $0x80, v3, vm0, $0xb8;
	[tilespmem:$0x18100] =	vst v63  }
0x4e: {  	s22 =	simm.s32 $0x8100  }
0x4f: {  	[tilespmem:s22], [sflag:$0x1] =	stream.indirect_vreg.gather [hbm4b:s8+s18], $0x80, v3, vm0, $0xb8;
	[tilespmem:$0x18100] =	vst v63  }
0x50: {  	s23 =	simm.s32 $0x8900  }
0x51: {  	[tilespmem:s23], [sflag:$0x1] =	stream.indirect_vreg.gather [hbm4b:s9+s18], $0x80, v3, vm0, $0xb8;
	[tilespmem:$0x18100] =	vst v63  }
0x52: {  	v3 =	vld [tilespmem:$0x30];
	_ =	sdelay $0x4  }
0x53: {  	v4 =	vshrl.u32 v3, $0x3  }
0x54: {  	v4 =	vmul.u32 $0x30, v4  }
0x55: {  	v3 =	vand.u32 $0x7, v3  }
0x56: {  	v3 =	vor.u32 v3, v4  }
0x57: {  	v4 =	vperm.xlane v3, v0;
	_ =	sdelay $0x1  }
0x58: {  	v4 =	vadd.s32 v1, v4;
	_ =	sdelay $0x3  }
0x59: {  	s24 =	simm.s32 $0x9100;
	v3 =	vperm.xlane v3, v2  }
0x5a: {  	[tilespmem:s24], [sflag:$0x1] =	stream.indirect_vreg.gather [hbm4b:s4+s18], $0x80, v4, vm0, $0xb8;
	[tilespmem:$0x18100] =	vst v63  }
0x5b: {  	s25 =	simm.s32 $0x9900;
	v3 =	vadd.s32 v1, v3  }
0x5c: {  	[tilespmem:s25], [sflag:$0x1] =	stream.indirect_vreg.gather [hbm4b:s8+s18], $0x80, v4, vm0, $0xb8;
	[tilespmem:$0x18100] =	vst v63  }
0x5d: {  	s20 =	simm.s32 $0xA100  }
0x5e: {  	[tilespmem:s20], [sflag:$0x1] =	stream.indirect_vreg.gather [hbm4b:s9+s18], $0x80, v4, vm0, $0xb8;
	[tilespmem:$0x18100] =	vst v63  }
0x5f: {  	s21 =	simm.s32 $0xA900  }
0x60: {  	[tilespmem:s21], [sflag:$0x1] =	stream.indirect_vreg.gather [hbm4b:s4+s18], $0x80, v3, vm0, $0xb8;
	[tilespmem:$0x18100] =	vst v63  }
0x61: {  	s22 =	simm.s32 $0xB100  }
0x62: {  	[tilespmem:s22], [sflag:$0x1] =	stream.indirect_vreg.gather [hbm4b:s8+s18], $0x80, v3, vm0, $0xb8;
	[tilespmem:$0x18100] =	vst v63  }
0x63: {  	s23 =	simm.s32 $0xB900  }
0x64: {  	[tilespmem:s23], [sflag:$0x1] =	stream.indirect_vreg.gather [hbm4b:s9+s18], $0x80, v3, vm0, $0xb8;
	[tilespmem:$0x18100] =	vst v63  }
0x65: {  	v3 =	vld [tilespmem:$0x80];
	_ =	sdelay $0x4  }
0x66: {  	v4 =	vshrl.u32 v3, $0x3  }
0x67: {  	v4 =	vmul.u32 $0x30, v4  }
0x68: {  	v3 =	vand.u32 $0x7, v3  }
0x69: {  	v3 =	vor.u32 v3, v4  }
0x6a: {  	v4 =	vperm.xlane v3, v0;
	_ =	sdelay $0x1  }
0x6b: {  	v4 =	vadd.s32 v1, v4;
	_ =	sdelay $0x3  }
0x6c: {  	s24 =	simm.s32 $0xC100;
	v3 =	vperm.xlane v3, v2  }
0x6d: {  	[tilespmem:s24], [sflag:$0x2] =	stream.indirect_vreg.gather [hbm4b:s4+s18], $0x80, v4, vm0, $0xb8;
	[tilespmem:$0x18100] =	vst v63  }
0x6e: {  	s25 =	simm.s32 $0xC900;
	v3 =	vadd.s32 v1, v3  }
0x6f: {  	[tilespmem:s25], [sflag:$0x2] =	stream.indirect_vreg.gather [hbm4b:s8+s18], $0x80, v4, vm0, $0xb8;
	[tilespmem:$0x18100] =	vst v63  }
0x70: {  	s20 =	simm.s32 $0xD100  }
0x71: {  	[tilespmem:s20], [sflag:$0x2] =	stream.indirect_vreg.gather [hbm4b:s9+s18], $0x80, v4, vm0, $0xb8;
	[tilespmem:$0x18100] =	vst v63  }
0x72: {  	s21 =	simm.s32 $0xD900  }
0x73: {  	[tilespmem:s21], [sflag:$0x2] =	stream.indirect_vreg.gather [hbm4b:s4+s18], $0x80, v3, vm0, $0xb8;
	[tilespmem:$0x18100] =	vst v63  }
0x74: {  	s22 =	simm.s32 $0xE100  }
0x75: {  	[tilespmem:s22], [sflag:$0x2] =	stream.indirect_vreg.gather [hbm4b:s8+s18], $0x80, v3, vm0, $0xb8;
	[tilespmem:$0x18100] =	vst v63  }
0x76: {  	s23 =	simm.s32 $0xE900  }
0x77: {  	[tilespmem:s23], [sflag:$0x2] =	stream.indirect_vreg.gather [hbm4b:s9+s18], $0x80, v3, vm0, $0xb8;
	[tilespmem:$0x18100] =	vst v63  }
0x78: {  	v3 =	vld [tilespmem:$0x90];
	_ =	sdelay $0x4  }
0x79: {  	v4 =	vshrl.u32 v3, $0x3  }
0x7a: {  	v4 =	vmul.u32 $0x30, v4  }
0x7b: {  	v3 =	vand.u32 $0x7, v3  }
0x7c: {  	v3 =	vor.u32 v3, v4  }
0x7d: {  	v4 =	vperm.xlane v3, v0;
	_ =	sdelay $0x1  }
0x7e: {  	v4 =	vadd.s32 v1, v4;
	_ =	sdelay $0x3  }
0x7f: {  	s24 =	simm.s32 $0xF100;
	v3 =	vperm.xlane v3, v2  }
0x80: {  	[tilespmem:s24], [sflag:$0x2] =	stream.indirect_vreg.gather [hbm4b:s4+s18], $0x80, v4, vm0, $0xb8;
	[tilespmem:$0x18100] =	vst v63  }
0x81: {  	s25 =	simm.s32 $0xF900;
	v3 =	vadd.s32 v1, v3  }
0x82: {  	[tilespmem:s25], [sflag:$0x2] =	stream.indirect_vreg.gather [hbm4b:s8+s18], $0x80, v4, vm0, $0xb8;
	[tilespmem:$0x18100] =	vst v63  }
0x83: {  	s20 =	simm.s32 $0x10100  }
0x84: {  	[tilespmem:s20], [sflag:$0x2] =	stream.indirect_vreg.gather [hbm4b:s9+s18], $0x80, v4, vm0, $0xb8;
	[tilespmem:$0x18100] =	vst v63  }
0x85: {  	s21 =	simm.s32 $0x10900  }
0x86: {  	[tilespmem:s21], [sflag:$0x2] =	stream.indirect_vreg.gather [hbm4b:s4+s18], $0x80, v3, vm0, $0xb8;
	[tilespmem:$0x18100] =	vst v63  }
0x87: {  	s22 =	simm.s32 $0x11100  }
0x88: {  	[tilespmem:s22], [sflag:$0x2] =	stream.indirect_vreg.gather [hbm4b:s8+s18], $0x80, v3, vm0, $0xb8;
	[tilespmem:$0x18100] =	vst v63  }
0x89: {  	s23 =	simm.s32 $0x11900  }
0x8a: {  	[tilespmem:s23], [sflag:$0x2] =	stream.indirect_vreg.gather [hbm4b:s9+s18], $0x80, v3, vm0, $0xb8;
	[tilespmem:$0x18100] =	vst v63  }
0x8b: {  	v3 =	vld [tilespmem:$0xA0];
	_ =	sdelay $0x4  }
0x8c: {  	v4 =	vshrl.u32 v3, $0x3  }
0x8d: {  	v4 =	vmul.u32 $0x30, v4  }
0x8e: {  	v3 =	vand.u32 $0x7, v3  }
0x8f: {  	v3 =	vor.u32 v3, v4  }
0x90: {  	v4 =	vperm.xlane v3, v0;
	_ =	sdelay $0x1  }
0x91: {  	v4 =	vadd.s32 v1, v4;
	_ =	sdelay $0x3  }
0x92: {  	v3 =	vperm.xlane v3, v2  }
0x93: {  	[tilespmem:s26], [sflag:$0x2] =	stream.indirect_vreg.gather [hbm4b:s4+s18], $0x80, v4, vm0, $0xb8;
	[tilespmem:$0x18100] =	vst v63  }
0x94: {  	v3 =	vadd.s32 v1, v3  }
0x95: {  	[tilespmem:s28], [sflag:$0x2] =	stream.indirect_vreg.gather [hbm4b:s8+s18], $0x80, v4, vm0, $0xb8;
	[tilespmem:$0x18100] =	vst v63  }
0x96: {  	_ = 	snop  }
0x97: {  	[tilespmem:s29], [sflag:$0x2] =	stream.indirect_vreg.gather [hbm4b:s9+s18], $0x80, v4, vm0, $0xb8;
	[tilespmem:$0x18100] =	vst v63  }
0x98: {  	_ = 	snop  }
0x99: {  	[tilespmem:s30], [sflag:$0x2] =	stream.indirect_vreg.gather [hbm4b:s4+s18], $0x80, v3, vm0, $0xb8;
	[tilespmem:$0x18100] =	vst v63  }
0x9a: {  	_ = 	snop  }
0x9b: {  	[tilespmem:s31], [sflag:$0x2] =	stream.indirect_vreg.gather [hbm4b:s8+s18], $0x80, v3, vm0, $0xb8;
	[tilespmem:$0x18100] =	vst v63  }
0x9c: {  	_ = 	snop  }
0x9d: {  	[tilespmem:s0], [sflag:$0x2] =	stream.indirect_vreg.gather [hbm4b:s9+s18], $0x80, v3, vm0, $0xb8;
	[tilespmem:$0x18100] =	vst v63  }
0x9e: {  	v3 =	vld [tilespmem:$0xB0];
	_ =	sdelay $0x4  }
0x9f: {  	v4 =	vshrl.u32 v3, $0x3  }
0xa0: {  	v4 =	vmul.u32 $0x30, v4  }
0xa1: {  	v3 =	vand.u32 $0x7, v3  }
0xa2: {  	v3 =	vor.u32 v3, v4  }
0xa3: {  	v4 =	vperm.xlane v3, v0;
	_ =	sdelay $0x1  }
0xa4: {  	v4 =	vadd.s32 v1, v4;
	_ =	sdelay $0x3  }
0xa5: {  	v3 =	vperm.xlane v3, v2  }
0xa6: {  	[tilespmem:s3], [sflag:$0x2] =	stream.indirect_vreg.gather [hbm4b:s4+s18], $0x80, v4, vm0, $0xb8;
	[tilespmem:$0x18100] =	vst v63  }
0xa7: {  	v3 =	vadd.s32 v1, v3  }
0xa8: {  	[tilespmem:s10], [sflag:$0x2] =	stream.indirect_vreg.gather [hbm4b:s8+s18], $0x80, v4, vm0, $0xb8;
	[tilespmem:$0x18100] =	vst v63  }
0xa9: {  	_ = 	snop  }
0xaa: {  	[tilespmem:s1], [sflag:$0x2] =	stream.indirect_vreg.gather [hbm4b:s9+s18], $0x80, v4, vm0, $0xb8;
	[tilespmem:$0x18100] =	vst v63  }
0xab: {  	_ = 	snop  }
0xac: {  	[tilespmem:s2], [sflag:$0x2] =	stream.indirect_vreg.gather [hbm4b:s4+s18], $0x80, v3, vm0, $0xb8;
	[tilespmem:$0x18100] =	vst v63  }
0xad: {  	_ = 	snop  }
0xae: {  	[tilespmem:s12], [sflag:$0x2] =	stream.indirect_vreg.gather [hbm4b:s8+s18], $0x80, v3, vm0, $0xb8;
	[tilespmem:$0x18100] =	vst v63  }
0xaf: {  	_ = 	snop  }
0xb0: {  	[tilespmem:s14], [sflag:$0x2] =	stream.indirect_vreg.gather [hbm4b:s9+s18], $0x80, v3, vm0, $0xb8;
	[tilespmem:$0x18100] =	vst v63  }
0xb1: {  	s18 =	smul.u32 $0xAAAB, s18;
	_ =	sdelay $0x1  }
0xb2: {  	s24 =	sshrl.u32 s18, $0x15  }
0xb3: {  	s21 =	simm.s32 $0x1;
	s19 =	smul.u32 $0x30, s24  }
0xb4: {  	s21 =	smul.u32 $0xAAAB, s21;
	_ =	swait.ge [sflag:s15], $0xC000  }
0xb5: {  	[sflag:s15] =	ssyncset.done $0x0;
	s25 =	sshrl.u32 s18, $0x18;
	s19 =	ssub.s32 $0x0, s19  }
0xb6: {  	s18 =	sshrl.u32 s18, $0xE;
	s20 =	smul.u32 $0x1800, s25;
	s22 =	sshll.u32 s19, $0x7  }
0xb7: {  	[sflag:s15] =	ssyncadd.s32 $0xFFFF4000;
	s18 =	sand.u32 $0x380, s18;
	s22 =	sand.u32 $0x1C00, s22  }
0xb8: {  	_ =	swait.ge [sflag:s16], $0xC000;
	s19 =	sshll.u32 s19, $0x4;
	s20 =	sadd.s32 s22, s20  }
0xb9: {  	[sflag:s16] =	ssyncset.done $0x0;
	s19 =	sand.u32 $0x70, s19;
	s18 =	sor.u32 s18, s20  }
0xba: {  	[sflag:s16] =	ssyncadd.s32 $0xFFFF4000;
	s22 =	sshrl.u32 s21, $0x15;
	s18 =	sor.u32 s19, s18  }
0xbb: {  	s23 =	smul.u32 $0x30, s22;
	v3 =	vld [tilespmem:s18+$0xC100]  }
0xbc: {  	v4 =	vld [tilespmem:s18+$0x100]  }
0xbd: {  	p1 =	por p0, p0;
	s24 =	sshrl.u32 s21, $0x18;
	s22 =	ssub.s32 $0x1, s23  }
0xbe: {  	s21 =	sshrl.u32 s21, $0xE;
	s19 =	smul.u32 $0x1800, s24;
	s25 =	sshll.u32 s22, $0x7  }
0xbf: {  	s20 =	simm.s32 $0x2;
	s21 =	sand.u32 $0x380, s21;
	s23 =	sand.u32 $0x1C00, s25  }
0xc0: {  	s24 =	sshll.u32 s22, $0x4;
	s23 =	sadd.s32 s23, s19;
	s19 =	smul.u32 $0xAAAB, s20  }
0xc1: {  	s22 =	sor.u32 s21, s23;
	s21 =	simm.s32 $0x3;
	s23 =	sand.u32 $0x70, s24;
	v3 =	vadd.f32 v3, v4  }
.LBB2_3:
0xc2: {  	p0 =	sne.s32 s21, $0xBFF;
	s24 =	sshrl.u32 s19, $0x15;
	s22 =	sor.u32 s23, s22  }
0xc3: {  	s23 =	smul.u32 $0x30, s24;
	v4 =	vld [tilespmem:s22+$0xC100];
	[tilespmem:s18+$0x100] =	vst v3;
	s18 =	smov.u32 s22  }
0xc4: {  	v3 =	vld [tilespmem:s18+$0x100]  }
.Ltmp0:
0xc5: {  	s22 =	ssub.s32 s20, s23;
	s20 =	sshrl.u32 s19, $0x18;
	(pc) =	sbr.rel @p0 .LBB2_3-.Ltmp0, $4  }
0xc6: {  	s23 =	smul.u32 $0x1800, s20;
	s24 =	sshll.u32 s22, $0x7;
	s20 =	smov.u32 s21  }
0xc7: {  	s25 =	sshrl.u32 s19, $0xE;
	s19 =	smul.u32 $0xAAAB, s21;
	s24 =	sand.u32 $0x1C00, s24  }
0xc8: {  	s25 =	sand.u32 $0x380, s25;
	s22 =	sshll.u32 s22, $0x4;
	s24 =	sadd.s32 s24, s23  }
0xc9: {  	s21 =	sadd.s32 $0x1, s21;
	s23 =	sand.u32 $0x70, s22;
	s22 =	sor.u32 s25, s24;
	v3 =	vadd.f32 v4, v3  }
0xca: {  	s21 =	sshrl.u32 s19, $0x15;
	s22 =	sor.u32 s23, s22  }
0xcb: {  	s21 =	smul.u32 $0x30, s21;
	v4 =	vld [tilespmem:s22+$0xC100];
	[tilespmem:s18+$0x100] =	vst v3  }
0xcc: {  	v3 =	vld [tilespmem:s22+$0x100]  }
0xcd: {  	s25 =	ssub.s32 s20, s21;
	s21 =	sshrl.u32 s19, $0x18  }
0xce: {  	s20 =	smul.u32 $0x1800, s21;
	s21 =	sshll.u32 s25, $0x7  }
0xcf: {  	s23 =	sshrl.u32 s19, $0xE;
	s21 =	sand.u32 $0x1C00, s21  }
0xd0: {  	s19 =	sand.u32 $0x380, s23;
	s18 =	sshll.u32 s25, $0x4;
	s20 =	sadd.s32 s21, s20  }
0xd1: {  	s18 =	sand.u32 $0x70, s18;
	s19 =	sor.u32 s19, s20;
	v3 =	vadd.f32 v4, v3  }
0xd2: {  	s18 =	sor.u32 s18, s19  }
0xd3: {  	v63 =	vld [tilespmem:s18+$0xC100];
	[tilespmem:s22+$0x100] =	vst v3  }
0xd4: {  	v3 =	vld [tilespmem:s18+$0x100];
	_ =	sdelay $0x4  }
0xd5: {  	s17 =	smul.u32 $0x300, s17;
	v3 =	vadd.f32 v63, v3  }
0xd6: {  	s24 =	rddreg [dreg:$0x1]  }
.Ltmp1:
0xd7: {  	s17 =	sadd.s32 s24, s17;
	s25 =	simm.s32 $0x0;
	[tilespmem:s18+$0x100] =	vst v3;
	(pc) =	sbr.rel @p1 .LBB2_2-.Ltmp1, $4  }
0xd8: {  	[hbm4b:s17+s25] =	stream.linear.scatter [tilespmem:s13], [sflag:$0x3], $0xC000, $0x38;
	[tilespmem:$0x18100] =	vst v63  }
0xd9: {  	_ =	swait.ge [sflag:s11], $0xC000  }
0xda: {  	[sflag:s11] =	ssyncset.done $0x0  }
0xdb: {  	p0 =	por $0x0, $0x0;
	s17 =	simm.s32 $0x8;
	[sflag:s11] =	ssyncadd.s32 $0xFFFF4000  }
0xdc: {  	s18 =	rddreg [dreg:$0x4]  }
0xdd: {  	s17 =	rddreg [dreg:$0x3];
	s18 =	sadd.s32 $0x1, s18  }
0xde: {  	p0 =	sne.s32 s18, s17  }
.Ltmp2:
0xdf: {  	_ = 	snop;
	(pc) =	sbr.rel @p0 .LBB2_1-.Ltmp2, $1  }
0xe0: {  	_ =	sdelay $0x3  }
0xe1: {  	_ =	sfence.sel $0x180000  }
0xe2: {  	[bflag:$0x0] =	sbarrier.arrive $0xFFFF  }
0xe3: {  	_ =	strace $0x9000004A  }
0xe4: {  	s0 =	stileid.u32;
	[bflag:$0x2] =	sbarrier.arrive $0xFFFF  }
0xe5: {  	p0 =	sne.s32 s0, $0x0;
	s0 =	rddreg [dreg:$0x2]  }
0xe6: {  	s0 =	sadd.s32 @!p0 $0x100000, s0  }
0xe7: {  	[sflag:s0] =	ssyncadd.tile.s32 @!p0 $0x1;
	_ =	shalt  }
.Lfunc_end2:
_tile_overlayer_lowered:
.L_overlay_start_2:
0xe8: {  	(tag) =	ssettag $0x2  }
0xe9: {  	s0 =	rddreg [dreg:$0x0];
	s2 =	stileid.u32  }
0xea: {  	s1 =	rddreg [dreg:$0x1];
	p0 =	sne.s32 s2, $0x0  }
0xeb: {  	s3 =	rddreg [dreg:$0x2];
	[bflag:$0x3] =	sbarrier.arrive $0xFFFF;
	s2 =	simm.s32 @!p0 $0x1C03  }
0xec: {  	[timem:s3], [sflag:s2] =	dma.local @!p0 [hbm:s0], s1  }
0xed: {  	s0 =	simm.s32 @!p0 $0x3  }
0xee: {  	_ =	swait.ge @!p0 [sflag:s0], s1  }
0xef: {  	s1 =	ssub.s32 @!p0 $0x0, s1;
	[sflag:s0] =	ssyncset.done @!p0 $0x0  }
0xf0: {  	[sflag:s0] =	ssyncadd.s32 @!p0 s1  }
0xf1: {  	[bflag:$0x3] =	sbarrier.arrive $0xFFFF  }
0xf2: {  	_ =	shalt  }

</sc_bundles>
